<compile_context>
chip_gen: v7x
topology: tpu7x:2x2x1
jax: 0.10.2.dev20260603
libtpu: 0.0.44.dev20260713+nightly
codegen_flags: <defaults>
</compile_context>

<pallas_src>
import functools

import jax
import jax.numpy as jnp
from jax import lax
from jax.experimental import pallas as pl
from jax.experimental.pallas import tpu as pltpu
from jax.experimental.pallas import tpu_sc as plsc

_NBUF = 8
_CHUNK = 64


def _gather_kernel(N, D, V, NW, per_w, C, nch):
    mesh = plsc.VectorSubcoreMesh(core_axis_name="c", subcore_axis_name="s")
    NBUF = _NBUF
    ngroups = nch // NBUF

    sem_types = [pltpu.SemaphoreType.DMA] * (2 * NBUF)

    @functools.partial(
        pl.kernel,
        mesh=mesh,
        out_type=jax.ShapeDtypeStruct((N, D), jnp.float32),
        scratch_types=[
            pltpu.VMEM((nch, C), jnp.int32),
            pltpu.VMEM_SHARED((V, D), jnp.float32),
            pltpu.VMEM((NBUF, C, D), jnp.float32),
        ]
        + sem_types,
    )
    def k(idx_hbm, table_hbm, out_hbm, idx_v, table_sh, rows_v,
          g0, g1, g2, g3, g4, g5, g6, g7,
          s0, s1, s2, s3, s4, s5, s6, s7):
        gsem = (g0, g1, g2, g3, g4, g5, g6, g7)
        ssem = (s0, s1, s2, s3, s4, s5, s6, s7)
        sid = lax.axis_index("s")
        wid = sid * 2 + lax.axis_index("c")
        base = wid * per_w

        @pl.when(sid == 0)
        def _stage_table():
            pltpu.sync_copy(table_hbm, table_sh)

        pltpu.sync_copy(idx_hbm.at[wid], idx_v)
        plsc.subcore_barrier()

        for b in range(NBUF):
            pltpu.async_copy(table_sh.at[idx_v.at[b]], rows_v.at[b], gsem[b])

        def body(t, _):
            c0 = t * NBUF
            for b in range(NBUF):
                pltpu.make_async_copy(
                    table_sh.at[idx_v.at[0]], rows_v.at[b], gsem[b]).wait()
                pltpu.async_copy(
                    rows_v.at[b], out_hbm.at[pl.ds(base + (c0 + b) * C, C)],
                    ssem[b])
            for b in range(NBUF):
                pltpu.make_async_copy(
                    rows_v.at[b], out_hbm.at[pl.ds(base, C)], ssem[b]).wait()

                @pl.when(t < ngroups - 1)
                def _issue(b=b, c0=c0):
                    pltpu.async_copy(
                        table_sh.at[idx_v.at[c0 + NBUF + b]], rows_v.at[b],
                        gsem[b])

            return 0

        lax.fori_loop(0, ngroups, body, 0)

    return k


def kernel(categories, ce):
    B, S = categories.shape
    V, D = ce.shape
    N = B * S
    NW = 32
    per_w = N // NW
    C = _CHUNK
    nch = per_w // C
    idx3 = categories.reshape(NW, nch, C)
    out = _gather_kernel(N, D, V, NW, per_w, C, nch)(idx3, ce)
    return out.reshape(B, S, D)

# --- scband reference (transcript-rebuilt; emitter-appended) ---
"""Pipeline reference for scband-category-encoding-32117765439641 (READ-ONLY COPY).

The authoritative reference and input builder live on the scoring server;
editing this copy changes nothing except your own understanding.
"""

import jax, jax.numpy as jnp
import numpy as np

MAX_LEN = 200
N_FILTERS = 128
BATCH = 4096
SEQ = 200

def _make_ce(max_len, n_filters):
    position = jnp.arange(max_len, dtype=jnp.float32)[:, None]
    div_term = jnp.exp(jnp.arange(0, n_filters, 2, dtype=jnp.float32) * -(np.log(10000.0) / n_filters))
    ce = jnp.zeros((max_len, n_filters), dtype=jnp.float32)
    ce = ce.at[:, 0::2].set(jnp.sin(position * div_term))
    ce = ce.at[:, 1::2].set(jnp.cos(position * div_term))
    return ce

def setup_inputs(seed: int = 0):
    key = jax.random.key(seed)
    categories = jax.random.randint(key, (BATCH, SEQ), 0, MAX_LEN, dtype=jnp.int32)
    ce = _make_ce(MAX_LEN, N_FILTERS)
    return {"categories": categories, "ce": ce}

def reference(categories, ce):
    # Equivalent to per-batch ce[categories[b]] stacked over b: a single gather on axis 0
    return jnp.take(ce, categories, axis=0)

if __name__ == "__main__":
    import jax
    _d = setup_inputs()
    print(jax.jit(kernel)(*tuple(_d.values())))

</pallas_src>

<mosaic_0001>
#map = affine_map<(d0, d1) -> (0, 0, 0)>
#map1 = affine_map<(d0, d1) -> (0, 0)>
module attributes {stable_mosaic.version = 14 : i64} {
  func.func @k(%arg0: i32, %arg1: i32, %arg2: memref<32x400x64xi32, #tpu.memory_space<hbm>>, %arg3: memref<200x128xf32, #tpu.memory_space<hbm>>, %arg4: memref<819200x128xf32, #tpu.memory_space<hbm>>, %arg5: memref<400x64xi32, #tpu.memory_space<vmem>>, %arg6: memref<200x128xf32, #tpu.memory_space<vmem_shared>>, %arg7: memref<8x64x128xf32, #tpu.memory_space<vmem>>, %arg8: memref<!tpu.dma_semaphore, #tpu.memory_space<semaphore_mem>>, %arg9: memref<!tpu.dma_semaphore, #tpu.memory_space<semaphore_mem>>, %arg10: memref<!tpu.dma_semaphore, #tpu.memory_space<semaphore_mem>>, %arg11: memref<!tpu.dma_semaphore, #tpu.memory_space<semaphore_mem>>, %arg12: memref<!tpu.dma_semaphore, #tpu.memory_space<semaphore_mem>>, %arg13: memref<!tpu.dma_semaphore, #tpu.memory_space<semaphore_mem>>, %arg14: memref<!tpu.dma_semaphore, #tpu.memory_space<semaphore_mem>>, %arg15: memref<!tpu.dma_semaphore, #tpu.memory_space<semaphore_mem>>, %arg16: memref<!tpu.dma_semaphore, #tpu.memory_space<semaphore_mem>>, %arg17: memref<!tpu.dma_semaphore, #tpu.memory_space<semaphore_mem>>, %arg18: memref<!tpu.dma_semaphore, #tpu.memory_space<semaphore_mem>>, %arg19: memref<!tpu.dma_semaphore, #tpu.memory_space<semaphore_mem>>, %arg20: memref<!tpu.dma_semaphore, #tpu.memory_space<semaphore_mem>>, %arg21: memref<!tpu.dma_semaphore, #tpu.memory_space<semaphore_mem>>, %arg22: memref<!tpu.dma_semaphore, #tpu.memory_space<semaphore_mem>>, %arg23: memref<!tpu.dma_semaphore, #tpu.memory_space<semaphore_mem>>) attributes {dimension_semantics = [#tpu.dimension_semantics<core_parallel>, #tpu.dimension_semantics<subcore_parallel>], iteration_bounds = array<i64: 2, 16>, scalar_prefetch = 0 : i64, scratch_operands = 19 : i64, tpu.core_type = #tpu.core_type<sc_vector_subcore>, window_params = [{transform_indices = #map}, {transform_indices = #map1}, {transform_indices = #map1}]} {
    %mul3A = arith.constant 2 : i32
    %mul3A_0 = arith.muli %arg1, %mul3A : i32
    %add3A = arith.addi %mul3A_0, %arg0 : i32
    %mul3A_1 = arith.constant 25600 : i32
    %mul3A_2 = arith.muli %add3A, %mul3A_1 : i32
    %eq3A = arith.constant 0 : i32
    %eq3A_3 = arith.cmpi eq, %arg1, %eq3A : i32
    %convert_element_type3A = arith.extui %eq3A_3 : i1 to i32
    %cond3A = arith.constant 0 : i32
    %cond3A_4 = arith.cmpi ne, %convert_element_type3A, %cond3A : i32
    scf.if %cond3A_4 {
      "tpu.region"() ({
        %run_scoped3A = tpu.sem_alloc : memref<!tpu.dma_semaphore, #tpu.memory_space<semaphore_mem>>
        tpu.enqueue_dma source(%arg3 : memref<200x128xf32, #tpu.memory_space<hbm>>) target(%arg6 : memref<200x128xf32, #tpu.memory_space<vmem_shared>>) target_semaphore(%run_scoped3A : memref<!tpu.dma_semaphore, #tpu.memory_space<semaphore_mem>>)
        tpu.wait_dma2 semaphore(%run_scoped3A : memref<!tpu.dma_semaphore, #tpu.memory_space<semaphore_mem>>) src(%arg3 : memref<200x128xf32, #tpu.memory_space<hbm>>) dst(%arg6 : memref<200x128xf32, #tpu.memory_space<vmem_shared>>)
        tpu.yield
      }) : () -> ()
    } else {
    }
    "tpu.region"() ({
      %run_scoped3A = tpu.sem_alloc : memref<!tpu.dma_semaphore, #tpu.memory_space<semaphore_mem>>
      %dma_start3A_106 = arith.constant 0 : i32
      %dma_start3A_107 = arith.constant 0 : i32
      %dma_start3A_108 = tpu.memref_slice %arg2[%add3A, %dma_start3A_106, %dma_start3A_107] : memref<32x400x64xi32, #tpu.memory_space<hbm>> -> memref<1x400x64xi32, #tpu.memory_space<hbm>>
      %dma_start3A_109 = tpu.memref_squeeze %dma_start3A_108 : memref<1x400x64xi32, #tpu.memory_space<hbm>> -> memref<400x64xi32, #tpu.memory_space<hbm>>
      %dma_start3A_110 = arith.constant 0 : i32
      %dma_start3A_111 = arith.constant 0 : i32
      %dma_start3A_112 = tpu.memref_slice %arg2[%add3A, %dma_start3A_110, %dma_start3A_111] : memref<32x400x64xi32, #tpu.memory_space<hbm>> -> memref<1x400x64xi32, #tpu.memory_space<hbm>>
      %dma_start3A_113 = tpu.memref_squeeze %dma_start3A_112 : memref<1x400x64xi32, #tpu.memory_space<hbm>> -> memref<400x64xi32, #tpu.memory_space<hbm>>
      tpu.enqueue_dma source(%dma_start3A_113 : memref<400x64xi32, #tpu.memory_space<hbm>>) target(%arg5 : memref<400x64xi32, #tpu.memory_space<vmem>>) target_semaphore(%run_scoped3A : memref<!tpu.dma_semaphore, #tpu.memory_space<semaphore_mem>>)
      %dma_wait3A = arith.constant 0 : i32
      %dma_wait3A_114 = arith.constant 0 : i32
      %dma_wait3A_115 = tpu.memref_slice %arg2[%add3A, %dma_wait3A, %dma_wait3A_114] : memref<32x400x64xi32, #tpu.memory_space<hbm>> -> memref<1x400x64xi32, #tpu.memory_space<hbm>>
      %dma_wait3A_116 = tpu.memref_squeeze %dma_wait3A_115 : memref<1x400x64xi32, #tpu.memory_space<hbm>> -> memref<400x64xi32, #tpu.memory_space<hbm>>
      %dma_wait3A_117 = arith.constant 0 : i32
      %dma_wait3A_118 = arith.constant 0 : i32
      %dma_wait3A_119 = tpu.memref_slice %arg2[%add3A, %dma_wait3A_117, %dma_wait3A_118] : memref<32x400x64xi32, #tpu.memory_space<hbm>> -> memref<1x400x64xi32, #tpu.memory_space<hbm>>
      %dma_wait3A_120 = tpu.memref_squeeze %dma_wait3A_119 : memref<1x400x64xi32, #tpu.memory_space<hbm>> -> memref<400x64xi32, #tpu.memory_space<hbm>>
      tpu.wait_dma2 semaphore(%run_scoped3A : memref<!tpu.dma_semaphore, #tpu.memory_space<semaphore_mem>>) src(%dma_wait3A_120 : memref<400x64xi32, #tpu.memory_space<hbm>>) dst(%arg5 : memref<400x64xi32, #tpu.memory_space<vmem>>)
      tpu.yield
    }) : () -> ()
    %barrier3A = arith.constant 0 : index
    tpu.barrier barrier_id(%barrier3A)
    %dma_start3A = arith.constant 0 : i32
    %dma_start3A_5 = arith.constant 0 : i32
    %dma_start3A_6 = arith.constant 0 : i32
    %dma_start3A_7 = arith.constant 0 : i32
    %dma_start3A_8 = tpu.memref_slice %arg7[%dma_start3A_5, %dma_start3A_6, %dma_start3A_7] : memref<8x64x128xf32, #tpu.memory_space<vmem>> -> memref<1x64x128xf32, #tpu.memory_space<vmem>>
    %dma_start3A_9 = tpu.memref_squeeze %dma_start3A_8 : memref<1x64x128xf32, #tpu.memory_space<vmem>> -> memref<64x128xf32, #tpu.memory_space<vmem>>
    %dma_start3A_10 = arith.constant 0 : i32
    %dma_start3A_11 = tpu.memref_slice %arg5[%dma_start3A, %dma_start3A_10] : memref<400x64xi32, #tpu.memory_space<vmem>> -> memref<1x64xi32, #tpu.memory_space<vmem>>
    %dma_start3A_12 = tpu.memref_squeeze %dma_start3A_11 : memref<1x64xi32, #tpu.memory_space<vmem>> -> memref<64xi32, #tpu.memory_space<vmem>>
    %dma_start3A_13 = arith.constant 0 : i32
    %dma_start3A_14 = arith.constant 0 : i32
    %dma_start3A_15 = tpu.memref_slice %arg6[%dma_start3A_13, %dma_start3A_14] : memref<200x128xf32, #tpu.memory_space<vmem_shared>> -> memref<200x128xf32, #tpu.memory_space<vmem_shared>>
    tpu.enqueue_indirect_dma source(%dma_start3A_15 : memref<200x128xf32, #tpu.memory_space<vmem_shared>>) target(%dma_start3A_9 : memref<64x128xf32, #tpu.memory_space<vmem>>) offsets(%dma_start3A_12 : memref<64xi32, #tpu.memory_space<vmem>>) semaphore(%arg8 : memref<!tpu.dma_semaphore, #tpu.memory_space<semaphore_mem>>)
    %dma_start3A_16 = arith.constant 1 : i32
    %dma_start3A_17 = arith.constant 1 : i32
    %dma_start3A_18 = arith.constant 0 : i32
    %dma_start3A_19 = arith.constant 0 : i32
    %dma_start3A_20 = tpu.memref_slice %arg7[%dma_start3A_17, %dma_start3A_18, %dma_start3A_19] : memref<8x64x128xf32, #tpu.memory_space<vmem>> -> memref<1x64x128xf32, #tpu.memory_space<vmem>>
    %dma_start3A_21 = tpu.memref_squeeze %dma_start3A_20 : memref<1x64x128xf32, #tpu.memory_space<vmem>> -> memref<64x128xf32, #tpu.memory_space<vmem>>
    %dma_start3A_22 = arith.constant 0 : i32
    %dma_start3A_23 = tpu.memref_slice %arg5[%dma_start3A_16, %dma_start3A_22] : memref<400x64xi32, #tpu.memory_space<vmem>> -> memref<1x64xi32, #tpu.memory_space<vmem>>
    %dma_start3A_24 = tpu.memref_squeeze %dma_start3A_23 : memref<1x64xi32, #tpu.memory_space<vmem>> -> memref<64xi32, #tpu.memory_space<vmem>>
    %dma_start3A_25 = arith.constant 0 : i32
    %dma_start3A_26 = arith.constant 0 : i32
    %dma_start3A_27 = tpu.memref_slice %arg6[%dma_start3A_25, %dma_start3A_26] : memref<200x128xf32, #tpu.memory_space<vmem_shared>> -> memref<200x128xf32, #tpu.memory_space<vmem_shared>>
    tpu.enqueue_indirect_dma source(%dma_start3A_27 : memref<200x128xf32, #tpu.memory_space<vmem_shared>>) target(%dma_start3A_21 : memref<64x128xf32, #tpu.memory_space<vmem>>) offsets(%dma_start3A_24 : memref<64xi32, #tpu.memory_space<vmem>>) semaphore(%arg9 : memref<!tpu.dma_semaphore, #tpu.memory_space<semaphore_mem>>)
    %dma_start3A_28 = arith.constant 2 : i32
    %dma_start3A_29 = arith.constant 2 : i32
    %dma_start3A_30 = arith.constant 0 : i32
    %dma_start3A_31 = arith.constant 0 : i32
    %dma_start3A_32 = tpu.memref_slice %arg7[%dma_start3A_29, %dma_start3A_30, %dma_start3A_31] : memref<8x64x128xf32, #tpu.memory_space<vmem>> -> memref<1x64x128xf32, #tpu.memory_space<vmem>>
    %dma_start3A_33 = tpu.memref_squeeze %dma_start3A_32 : memref<1x64x128xf32, #tpu.memory_space<vmem>> -> memref<64x128xf32, #tpu.memory_space<vmem>>
    %dma_start3A_34 = arith.constant 0 : i32
    %dma_start3A_35 = tpu.memref_slice %arg5[%dma_start3A_28, %dma_start3A_34] : memref<400x64xi32, #tpu.memory_space<vmem>> -> memref<1x64xi32, #tpu.memory_space<vmem>>
    %dma_start3A_36 = tpu.memref_squeeze %dma_start3A_35 : memref<1x64xi32, #tpu.memory_space<vmem>> -> memref<64xi32, #tpu.memory_space<vmem>>
    %dma_start3A_37 = arith.constant 0 : i32
    %dma_start3A_38 = arith.constant 0 : i32
    %dma_start3A_39 = tpu.memref_slice %arg6[%dma_start3A_37, %dma_start3A_38] : memref<200x128xf32, #tpu.memory_space<vmem_shared>> -> memref<200x128xf32, #tpu.memory_space<vmem_shared>>
    tpu.enqueue_indirect_dma source(%dma_start3A_39 : memref<200x128xf32, #tpu.memory_space<vmem_shared>>) target(%dma_start3A_33 : memref<64x128xf32, #tpu.memory_space<vmem>>) offsets(%dma_start3A_36 : memref<64xi32, #tpu.memory_space<vmem>>) semaphore(%arg10 : memref<!tpu.dma_semaphore, #tpu.memory_space<semaphore_mem>>)
    %dma_start3A_40 = arith.constant 3 : i32
    %dma_start3A_41 = arith.constant 3 : i32
    %dma_start3A_42 = arith.constant 0 : i32
    %dma_start3A_43 = arith.constant 0 : i32
    %dma_start3A_44 = tpu.memref_slice %arg7[%dma_start3A_41, %dma_start3A_42, %dma_start3A_43] : memref<8x64x128xf32, #tpu.memory_space<vmem>> -> memref<1x64x128xf32, #tpu.memory_space<vmem>>
    %dma_start3A_45 = tpu.memref_squeeze %dma_start3A_44 : memref<1x64x128xf32, #tpu.memory_space<vmem>> -> memref<64x128xf32, #tpu.memory_space<vmem>>
    %dma_start3A_46 = arith.constant 0 : i32
    %dma_start3A_47 = tpu.memref_slice %arg5[%dma_start3A_40, %dma_start3A_46] : memref<400x64xi32, #tpu.memory_space<vmem>> -> memref<1x64xi32, #tpu.memory_space<vmem>>
    %dma_start3A_48 = tpu.memref_squeeze %dma_start3A_47 : memref<1x64xi32, #tpu.memory_space<vmem>> -> memref<64xi32, #tpu.memory_space<vmem>>
    %dma_start3A_49 = arith.constant 0 : i32
    %dma_start3A_50 = arith.constant 0 : i32
    %dma_start3A_51 = tpu.memref_slice %arg6[%dma_start3A_49, %dma_start3A_50] : memref<200x128xf32, #tpu.memory_space<vmem_shared>> -> memref<200x128xf32, #tpu.memory_space<vmem_shared>>
    tpu.enqueue_indirect_dma source(%dma_start3A_51 : memref<200x128xf32, #tpu.memory_space<vmem_shared>>) target(%dma_start3A_45 : memref<64x128xf32, #tpu.memory_space<vmem>>) offsets(%dma_start3A_48 : memref<64xi32, #tpu.memory_space<vmem>>) semaphore(%arg11 : memref<!tpu.dma_semaphore, #tpu.memory_space<semaphore_mem>>)
    %dma_start3A_52 = arith.constant 4 : i32
    %dma_start3A_53 = arith.constant 4 : i32
    %dma_start3A_54 = arith.constant 0 : i32
    %dma_start3A_55 = arith.constant 0 : i32
    %dma_start3A_56 = tpu.memref_slice %arg7[%dma_start3A_53, %dma_start3A_54, %dma_start3A_55] : memref<8x64x128xf32, #tpu.memory_space<vmem>> -> memref<1x64x128xf32, #tpu.memory_space<vmem>>
    %dma_start3A_57 = tpu.memref_squeeze %dma_start3A_56 : memref<1x64x128xf32, #tpu.memory_space<vmem>> -> memref<64x128xf32, #tpu.memory_space<vmem>>
    %dma_start3A_58 = arith.constant 0 : i32
    %dma_start3A_59 = tpu.memref_slice %arg5[%dma_start3A_52, %dma_start3A_58] : memref<400x64xi32, #tpu.memory_space<vmem>> -> memref<1x64xi32, #tpu.memory_space<vmem>>
    %dma_start3A_60 = tpu.memref_squeeze %dma_start3A_59 : memref<1x64xi32, #tpu.memory_space<vmem>> -> memref<64xi32, #tpu.memory_space<vmem>>
    %dma_start3A_61 = arith.constant 0 : i32
    %dma_start3A_62 = arith.constant 0 : i32
    %dma_start3A_63 = tpu.memref_slice %arg6[%dma_start3A_61, %dma_start3A_62] : memref<200x128xf32, #tpu.memory_space<vmem_shared>> -> memref<200x128xf32, #tpu.memory_space<vmem_shared>>
    tpu.enqueue_indirect_dma source(%dma_start3A_63 : memref<200x128xf32, #tpu.memory_space<vmem_shared>>) target(%dma_start3A_57 : memref<64x128xf32, #tpu.memory_space<vmem>>) offsets(%dma_start3A_60 : memref<64xi32, #tpu.memory_space<vmem>>) semaphore(%arg12 : memref<!tpu.dma_semaphore, #tpu.memory_space<semaphore_mem>>)
    %dma_start3A_64 = arith.constant 5 : i32
    %dma_start3A_65 = arith.constant 5 : i32
    %dma_start3A_66 = arith.constant 0 : i32
    %dma_start3A_67 = arith.constant 0 : i32
    %dma_start3A_68 = tpu.memref_slice %arg7[%dma_start3A_65, %dma_start3A_66, %dma_start3A_67] : memref<8x64x128xf32, #tpu.memory_space<vmem>> -> memref<1x64x128xf32, #tpu.memory_space<vmem>>
    %dma_start3A_69 = tpu.memref_squeeze %dma_start3A_68 : memref<1x64x128xf32, #tpu.memory_space<vmem>> -> memref<64x128xf32, #tpu.memory_space<vmem>>
    %dma_start3A_70 = arith.constant 0 : i32
    %dma_start3A_71 = tpu.memref_slice %arg5[%dma_start3A_64, %dma_start3A_70] : memref<400x64xi32, #tpu.memory_space<vmem>> -> memref<1x64xi32, #tpu.memory_space<vmem>>
    %dma_start3A_72 = tpu.memref_squeeze %dma_start3A_71 : memref<1x64xi32, #tpu.memory_space<vmem>> -> memref<64xi32, #tpu.memory_space<vmem>>
    %dma_start3A_73 = arith.constant 0 : i32
    %dma_start3A_74 = arith.constant 0 : i32
    %dma_start3A_75 = tpu.memref_slice %arg6[%dma_start3A_73, %dma_start3A_74] : memref<200x128xf32, #tpu.memory_space<vmem_shared>> -> memref<200x128xf32, #tpu.memory_space<vmem_shared>>
    tpu.enqueue_indirect_dma source(%dma_start3A_75 : memref<200x128xf32, #tpu.memory_space<vmem_shared>>) target(%dma_start3A_69 : memref<64x128xf32, #tpu.memory_space<vmem>>) offsets(%dma_start3A_72 : memref<64xi32, #tpu.memory_space<vmem>>) semaphore(%arg13 : memref<!tpu.dma_semaphore, #tpu.memory_space<semaphore_mem>>)
    %dma_start3A_76 = arith.constant 6 : i32
    %dma_start3A_77 = arith.constant 6 : i32
    %dma_start3A_78 = arith.constant 0 : i32
    %dma_start3A_79 = arith.constant 0 : i32
    %dma_start3A_80 = tpu.memref_slice %arg7[%dma_start3A_77, %dma_start3A_78, %dma_start3A_79] : memref<8x64x128xf32, #tpu.memory_space<vmem>> -> memref<1x64x128xf32, #tpu.memory_space<vmem>>
    %dma_start3A_81 = tpu.memref_squeeze %dma_start3A_80 : memref<1x64x128xf32, #tpu.memory_space<vmem>> -> memref<64x128xf32, #tpu.memory_space<vmem>>
    %dma_start3A_82 = arith.constant 0 : i32
    %dma_start3A_83 = tpu.memref_slice %arg5[%dma_start3A_76, %dma_start3A_82] : memref<400x64xi32, #tpu.memory_space<vmem>> -> memref<1x64xi32, #tpu.memory_space<vmem>>
    %dma_start3A_84 = tpu.memref_squeeze %dma_start3A_83 : memref<1x64xi32, #tpu.memory_space<vmem>> -> memref<64xi32, #tpu.memory_space<vmem>>
    %dma_start3A_85 = arith.constant 0 : i32
    %dma_start3A_86 = arith.constant 0 : i32
    %dma_start3A_87 = tpu.memref_slice %arg6[%dma_start3A_85, %dma_start3A_86] : memref<200x128xf32, #tpu.memory_space<vmem_shared>> -> memref<200x128xf32, #tpu.memory_space<vmem_shared>>
    tpu.enqueue_indirect_dma source(%dma_start3A_87 : memref<200x128xf32, #tpu.memory_space<vmem_shared>>) target(%dma_start3A_81 : memref<64x128xf32, #tpu.memory_space<vmem>>) offsets(%dma_start3A_84 : memref<64xi32, #tpu.memory_space<vmem>>) semaphore(%arg14 : memref<!tpu.dma_semaphore, #tpu.memory_space<semaphore_mem>>)
    %dma_start3A_88 = arith.constant 7 : i32
    %dma_start3A_89 = arith.constant 7 : i32
    %dma_start3A_90 = arith.constant 0 : i32
    %dma_start3A_91 = arith.constant 0 : i32
    %dma_start3A_92 = tpu.memref_slice %arg7[%dma_start3A_89, %dma_start3A_90, %dma_start3A_91] : memref<8x64x128xf32, #tpu.memory_space<vmem>> -> memref<1x64x128xf32, #tpu.memory_space<vmem>>
    %dma_start3A_93 = tpu.memref_squeeze %dma_start3A_92 : memref<1x64x128xf32, #tpu.memory_space<vmem>> -> memref<64x128xf32, #tpu.memory_space<vmem>>
    %dma_start3A_94 = arith.constant 0 : i32
    %dma_start3A_95 = tpu.memref_slice %arg5[%dma_start3A_88, %dma_start3A_94] : memref<400x64xi32, #tpu.memory_space<vmem>> -> memref<1x64xi32, #tpu.memory_space<vmem>>
    %dma_start3A_96 = tpu.memref_squeeze %dma_start3A_95 : memref<1x64xi32, #tpu.memory_space<vmem>> -> memref<64xi32, #tpu.memory_space<vmem>>
    %dma_start3A_97 = arith.constant 0 : i32
    %dma_start3A_98 = arith.constant 0 : i32
    %dma_start3A_99 = tpu.memref_slice %arg6[%dma_start3A_97, %dma_start3A_98] : memref<200x128xf32, #tpu.memory_space<vmem_shared>> -> memref<200x128xf32, #tpu.memory_space<vmem_shared>>
    tpu.enqueue_indirect_dma source(%dma_start3A_99 : memref<200x128xf32, #tpu.memory_space<vmem_shared>>) target(%dma_start3A_93 : memref<64x128xf32, #tpu.memory_space<vmem>>) offsets(%dma_start3A_96 : memref<64xi32, #tpu.memory_space<vmem>>) semaphore(%arg15 : memref<!tpu.dma_semaphore, #tpu.memory_space<semaphore_mem>>)
    %scan3A = arith.constant 0 : i32
    %scan3A_100 = arith.constant 0 : i32
    %scan3A_101 = arith.constant 50 : i32
    %scan3A_102 = arith.addi %scan3A_100, %scan3A_101 : i32
    %scan3A_103 = arith.constant 1 : i32
    %scan3A_104 = scf.for %scan3A_106 = %scan3A_100 to %scan3A_102 step %scan3A_103 iter_args(%scan3A_107 = %scan3A) -> (i32)  : i32 {
      %mul3A_108 = arith.constant 8 : i32
      %mul3A_109 = arith.muli %scan3A_106, %mul3A_108 : i32
      %dma_wait3A = arith.constant 0 : i32
      %dma_wait3A_110 = arith.constant 0 : i32
      %dma_wait3A_111 = arith.constant 0 : i32
      %dma_wait3A_112 = arith.constant 0 : i32
      %dma_wait3A_113 = tpu.memref_slice %arg7[%dma_wait3A_110, %dma_wait3A_111, %dma_wait3A_112] : memref<8x64x128xf32, #tpu.memory_space<vmem>> -> memref<1x64x128xf32, #tpu.memory_space<vmem>>
      %dma_wait3A_114 = tpu.memref_squeeze %dma_wait3A_113 : memref<1x64x128xf32, #tpu.memory_space<vmem>> -> memref<64x128xf32, #tpu.memory_space<vmem>>
      %dma_wait3A_115 = arith.constant 0 : i32
      %dma_wait3A_116 = tpu.memref_slice %arg5[%dma_wait3A, %dma_wait3A_115] : memref<400x64xi32, #tpu.memory_space<vmem>> -> memref<1x64xi32, #tpu.memory_space<vmem>>
      %dma_wait3A_117 = tpu.memref_squeeze %dma_wait3A_116 : memref<1x64xi32, #tpu.memory_space<vmem>> -> memref<64xi32, #tpu.memory_space<vmem>>
      %dma_wait3A_118 = arith.constant 0 : i32
      %dma_wait3A_119 = arith.constant 0 : i32
      %dma_wait3A_120 = tpu.memref_slice %arg6[%dma_wait3A_118, %dma_wait3A_119] : memref<200x128xf32, #tpu.memory_space<vmem_shared>> -> memref<200x128xf32, #tpu.memory_space<vmem_shared>>
      tpu.wait_indirect_dma semaphore(%arg8 : memref<!tpu.dma_semaphore, #tpu.memory_space<semaphore_mem>>) src(%dma_wait3A_120 : memref<200x128xf32, #tpu.memory_space<vmem_shared>>) dst(%dma_wait3A_114 : memref<64x128xf32, #tpu.memory_space<vmem>>)
      %add3A_121 = arith.constant 0 : i32
      %add3A_122 = arith.addi %mul3A_109, %add3A_121 : i32
      %mul3A_123 = arith.constant 64 : i32
      %mul3A_124 = arith.muli %add3A_122, %mul3A_123 : i32
      %add3A_125 = arith.addi %mul3A_2, %mul3A_124 : i32
      %dma_start3A_126 = arith.constant 0 : i32
      %dma_start3A_127 = arith.constant 0 : i32
      %dma_start3A_128 = arith.constant 0 : i32
      %dma_start3A_129 = tpu.memref_slice %arg7[%dma_start3A_126, %dma_start3A_127, %dma_start3A_128] : memref<8x64x128xf32, #tpu.memory_space<vmem>> -> memref<1x64x128xf32, #tpu.memory_space<vmem>>
      %dma_start3A_130 = tpu.memref_squeeze %dma_start3A_129 : memref<1x64x128xf32, #tpu.memory_space<vmem>> -> memref<64x128xf32, #tpu.memory_space<vmem>>
      %dma_start3A_131 = arith.constant 0 : i32
      %dma_start3A_132 = tpu.memref_slice %arg4[%add3A_125, %dma_start3A_131] : memref<819200x128xf32, #tpu.memory_space<hbm>> -> memref<64x128xf32, #tpu.memory_space<hbm>>
      %dma_start3A_133 = arith.constant 0 : i32
      %dma_start3A_134 = tpu.memref_slice %arg4[%add3A_125, %dma_start3A_133] : memref<819200x128xf32, #tpu.memory_space<hbm>> -> memref<64x128xf32, #tpu.memory_space<hbm>>
      %dma_start3A_135 = arith.constant 0 : i32
      %dma_start3A_136 = arith.constant 0 : i32
      %dma_start3A_137 = tpu.memref_slice %arg7[%dma_start3A_126, %dma_start3A_135, %dma_start3A_136] : memref<8x64x128xf32, #tpu.memory_space<vmem>> -> memref<1x64x128xf32, #tpu.memory_space<vmem>>
      %dma_start3A_138 = tpu.memref_squeeze %dma_start3A_137 : memref<1x64x128xf32, #tpu.memory_space<vmem>> -> memref<64x128xf32, #tpu.memory_space<vmem>>
      tpu.enqueue_dma source(%dma_start3A_138 : memref<64x128xf32, #tpu.memory_space<vmem>>) target(%dma_start3A_134 : memref<64x128xf32, #tpu.memory_space<hbm>>) target_semaphore(%arg16 : memref<!tpu.dma_semaphore, #tpu.memory_space<semaphore_mem>>)
      %dma_wait3A_139 = arith.constant 0 : i32
      %dma_wait3A_140 = arith.constant 1 : i32
      %dma_wait3A_141 = arith.constant 0 : i32
      %dma_wait3A_142 = arith.constant 0 : i32
      %dma_wait3A_143 = tpu.memref_slice %arg7[%dma_wait3A_140, %dma_wait3A_141, %dma_wait3A_142] : memref<8x64x128xf32, #tpu.memory_space<vmem>> -> memref<1x64x128xf32, #tpu.memory_space<vmem>>
      %dma_wait3A_144 = tpu.memref_squeeze %dma_wait3A_143 : memref<1x64x128xf32, #tpu.memory_space<vmem>> -> memref<64x128xf32, #tpu.memory_space<vmem>>
      %dma_wait3A_145 = arith.constant 0 : i32
      %dma_wait3A_146 = tpu.memref_slice %arg5[%dma_wait3A_139, %dma_wait3A_145] : memref<400x64xi32, #tpu.memory_space<vmem>> -> memref<1x64xi32, #tpu.memory_space<vmem>>
      %dma_wait3A_147 = tpu.memref_squeeze %dma_wait3A_146 : memref<1x64xi32, #tpu.memory_space<vmem>> -> memref<64xi32, #tpu.memory_space<vmem>>
      %dma_wait3A_148 = arith.constant 0 : i32
      %dma_wait3A_149 = arith.constant 0 : i32
      %dma_wait3A_150 = tpu.memref_slice %arg6[%dma_wait3A_148, %dma_wait3A_149] : memref<200x128xf32, #tpu.memory_space<vmem_shared>> -> memref<200x128xf32, #tpu.memory_space<vmem_shared>>
      tpu.wait_indirect_dma semaphore(%arg9 : memref<!tpu.dma_semaphore, #tpu.memory_space<semaphore_mem>>) src(%dma_wait3A_150 : memref<200x128xf32, #tpu.memory_space<vmem_shared>>) dst(%dma_wait3A_144 : memref<64x128xf32, #tpu.memory_space<vmem>>)
      %add3A_151 = arith.constant 1 : i32
      %add3A_152 = arith.addi %mul3A_109, %add3A_151 : i32
      %mul3A_153 = arith.constant 64 : i32
      %mul3A_154 = arith.muli %add3A_152, %mul3A_153 : i32
      %add3A_155 = arith.addi %mul3A_2, %mul3A_154 : i32
      %dma_start3A_156 = arith.constant 1 : i32
      %dma_start3A_157 = arith.constant 0 : i32
      %dma_start3A_158 = arith.constant 0 : i32
      %dma_start3A_159 = tpu.memref_slice %arg7[%dma_start3A_156, %dma_start3A_157, %dma_start3A_158] : memref<8x64x128xf32, #tpu.memory_space<vmem>> -> memref<1x64x128xf32, #tpu.memory_space<vmem>>
      %dma_start3A_160 = tpu.memref_squeeze %dma_start3A_159 : memref<1x64x128xf32, #tpu.memory_space<vmem>> -> memref<64x128xf32, #tpu.memory_space<vmem>>
      %dma_start3A_161 = arith.constant 0 : i32
      %dma_start3A_162 = tpu.memref_slice %arg4[%add3A_155, %dma_start3A_161] : memref<819200x128xf32, #tpu.memory_space<hbm>> -> memref<64x128xf32, #tpu.memory_space<hbm>>
      %dma_start3A_163 = arith.constant 0 : i32
      %dma_start3A_164 = tpu.memref_slice %arg4[%add3A_155, %dma_start3A_163] : memref<819200x128xf32, #tpu.memory_space<hbm>> -> memref<64x128xf32, #tpu.memory_space<hbm>>
      %dma_start3A_165 = arith.constant 0 : i32
      %dma_start3A_166 = arith.constant 0 : i32
      %dma_start3A_167 = tpu.memref_slice %arg7[%dma_start3A_156, %dma_start3A_165, %dma_start3A_166] : memref<8x64x128xf32, #tpu.memory_space<vmem>> -> memref<1x64x128xf32, #tpu.memory_space<vmem>>
      %dma_start3A_168 = tpu.memref_squeeze %dma_start3A_167 : memref<1x64x128xf32, #tpu.memory_space<vmem>> -> memref<64x128xf32, #tpu.memory_space<vmem>>
      tpu.enqueue_dma source(%dma_start3A_168 : memref<64x128xf32, #tpu.memory_space<vmem>>) target(%dma_start3A_164 : memref<64x128xf32, #tpu.memory_space<hbm>>) target_semaphore(%arg17 : memref<!tpu.dma_semaphore, #tpu.memory_space<semaphore_mem>>)
      %dma_wait3A_169 = arith.constant 0 : i32
      %dma_wait3A_170 = arith.constant 2 : i32
      %dma_wait3A_171 = arith.constant 0 : i32
      %dma_wait3A_172 = arith.constant 0 : i32
      %dma_wait3A_173 = tpu.memref_slice %arg7[%dma_wait3A_170, %dma_wait3A_171, %dma_wait3A_172] : memref<8x64x128xf32, #tpu.memory_space<vmem>> -> memref<1x64x128xf32, #tpu.memory_space<vmem>>
      %dma_wait3A_174 = tpu.memref_squeeze %dma_wait3A_173 : memref<1x64x128xf32, #tpu.memory_space<vmem>> -> memref<64x128xf32, #tpu.memory_space<vmem>>
      %dma_wait3A_175 = arith.constant 0 : i32
      %dma_wait3A_176 = tpu.memref_slice %arg5[%dma_wait3A_169, %dma_wait3A_175] : memref<400x64xi32, #tpu.memory_space<vmem>> -> memref<1x64xi32, #tpu.memory_space<vmem>>
      %dma_wait3A_177 = tpu.memref_squeeze %dma_wait3A_176 : memref<1x64xi32, #tpu.memory_space<vmem>> -> memref<64xi32, #tpu.memory_space<vmem>>
      %dma_wait3A_178 = arith.constant 0 : i32
      %dma_wait3A_179 = arith.constant 0 : i32
      %dma_wait3A_180 = tpu.memref_slice %arg6[%dma_wait3A_178, %dma_wait3A_179] : memref<200x128xf32, #tpu.memory_space<vmem_shared>> -> memref<200x128xf32, #tpu.memory_space<vmem_shared>>
      tpu.wait_indirect_dma semaphore(%arg10 : memref<!tpu.dma_semaphore, #tpu.memory_space<semaphore_mem>>) src(%dma_wait3A_180 : memref<200x128xf32, #tpu.memory_space<vmem_shared>>) dst(%dma_wait3A_174 : memref<64x128xf32, #tpu.memory_space<vmem>>)
      %add3A_181 = arith.constant 2 : i32
      %add3A_182 = arith.addi %mul3A_109, %add3A_181 : i32
      %mul3A_183 = arith.constant 64 : i32
      %mul3A_184 = arith.muli %add3A_182, %mul3A_183 : i32
      %add3A_185 = arith.addi %mul3A_2, %mul3A_184 : i32
      %dma_start3A_186 = arith.constant 2 : i32
      %dma_start3A_187 = arith.constant 0 : i32
      %dma_start3A_188 = arith.constant 0 : i32
      %dma_start3A_189 = tpu.memref_slice %arg7[%dma_start3A_186, %dma_start3A_187, %dma_start3A_188] : memref<8x64x128xf32, #tpu.memory_space<vmem>> -> memref<1x64x128xf32, #tpu.memory_space<vmem>>
      %dma_start3A_190 = tpu.memref_squeeze %dma_start3A_189 : memref<1x64x128xf32, #tpu.memory_space<vmem>> -> memref<64x128xf32, #tpu.memory_space<vmem>>
      %dma_start3A_191 = arith.constant 0 : i32
      %dma_start3A_192 = tpu.memref_slice %arg4[%add3A_185, %dma_start3A_191] : memref<819200x128xf32, #tpu.memory_space<hbm>> -> memref<64x128xf32, #tpu.memory_space<hbm>>
      %dma_start3A_193 = arith.constant 0 : i32
      %dma_start3A_194 = tpu.memref_slice %arg4[%add3A_185, %dma_start3A_193] : memref<819200x128xf32, #tpu.memory_space<hbm>> -> memref<64x128xf32, #tpu.memory_space<hbm>>
      %dma_start3A_195 = arith.constant 0 : i32
      %dma_start3A_196 = arith.constant 0 : i32
      %dma_start3A_197 = tpu.memref_slice %arg7[%dma_start3A_186, %dma_start3A_195, %dma_start3A_196] : memref<8x64x128xf32, #tpu.memory_space<vmem>> -> memref<1x64x128xf32, #tpu.memory_space<vmem>>
      %dma_start3A_198 = tpu.memref_squeeze %dma_start3A_197 : memref<1x64x128xf32, #tpu.memory_space<vmem>> -> memref<64x128xf32, #tpu.memory_space<vmem>>
      tpu.enqueue_dma source(%dma_start3A_198 : memref<64x128xf32, #tpu.memory_space<vmem>>) target(%dma_start3A_194 : memref<64x128xf32, #tpu.memory_space<hbm>>) target_semaphore(%arg18 : memref<!tpu.dma_semaphore, #tpu.memory_space<semaphore_mem>>)
      %dma_wait3A_199 = arith.constant 0 : i32
      %dma_wait3A_200 = arith.constant 3 : i32
      %dma_wait3A_201 = arith.constant 0 : i32
      %dma_wait3A_202 = arith.constant 0 : i32
      %dma_wait3A_203 = tpu.memref_slice %arg7[%dma_wait3A_200, %dma_wait3A_201, %dma_wait3A_202] : memref<8x64x128xf32, #tpu.memory_space<vmem>> -> memref<1x64x128xf32, #tpu.memory_space<vmem>>
      %dma_wait3A_204 = tpu.memref_squeeze %dma_wait3A_203 : memref<1x64x128xf32, #tpu.memory_space<vmem>> -> memref<64x128xf32, #tpu.memory_space<vmem>>
      %dma_wait3A_205 = arith.constant 0 : i32
      %dma_wait3A_206 = tpu.memref_slice %arg5[%dma_wait3A_199, %dma_wait3A_205] : memref<400x64xi32, #tpu.memory_space<vmem>> -> memref<1x64xi32, #tpu.memory_space<vmem>>
      %dma_wait3A_207 = tpu.memref_squeeze %dma_wait3A_206 : memref<1x64xi32, #tpu.memory_space<vmem>> -> memref<64xi32, #tpu.memory_space<vmem>>
      %dma_wait3A_208 = arith.constant 0 : i32
      %dma_wait3A_209 = arith.constant 0 : i32
      %dma_wait3A_210 = tpu.memref_slice %arg6[%dma_wait3A_208, %dma_wait3A_209] : memref<200x128xf32, #tpu.memory_space<vmem_shared>> -> memref<200x128xf32, #tpu.memory_space<vmem_shared>>
      tpu.wait_indirect_dma semaphore(%arg11 : memref<!tpu.dma_semaphore, #tpu.memory_space<semaphore_mem>>) src(%dma_wait3A_210 : memref<200x128xf32, #tpu.memory_space<vmem_shared>>) dst(%dma_wait3A_204 : memref<64x128xf32, #tpu.memory_space<vmem>>)
      %add3A_211 = arith.constant 3 : i32
      %add3A_212 = arith.addi %mul3A_109, %add3A_211 : i32
      %mul3A_213 = arith.constant 64 : i32
      %mul3A_214 = arith.muli %add3A_212, %mul3A_213 : i32
      %add3A_215 = arith.addi %mul3A_2, %mul3A_214 : i32
      %dma_start3A_216 = arith.constant 3 : i32
      %dma_start3A_217 = arith.constant 0 : i32
      %dma_start3A_218 = arith.constant 0 : i32
      %dma_start3A_219 = tpu.memref_slice %arg7[%dma_start3A_216, %dma_start3A_217, %dma_start3A_218] : memref<8x64x128xf32, #tpu.memory_space<vmem>> -> memref<1x64x128xf32, #tpu.memory_space<vmem>>
      %dma_start3A_220 = tpu.memref_squeeze %dma_start3A_219 : memref<1x64x128xf32, #tpu.memory_space<vmem>> -> memref<64x128xf32, #tpu.memory_space<vmem>>
      %dma_start3A_221 = arith.constant 0 : i32
      %dma_start3A_222 = tpu.memref_slice %arg4[%add3A_215, %dma_start3A_221] : memref<819200x128xf32, #tpu.memory_space<hbm>> -> memref<64x128xf32, #tpu.memory_space<hbm>>
      %dma_start3A_223 = arith.constant 0 : i32
      %dma_start3A_224 = tpu.memref_slice %arg4[%add3A_215, %dma_start3A_223] : memref<819200x128xf32, #tpu.memory_space<hbm>> -> memref<64x128xf32, #tpu.memory_space<hbm>>
      %dma_start3A_225 = arith.constant 0 : i32
      %dma_start3A_226 = arith.constant 0 : i32
      %dma_start3A_227 = tpu.memref_slice %arg7[%dma_start3A_216, %dma_start3A_225, %dma_start3A_226] : memref<8x64x128xf32, #tpu.memory_space<vmem>> -> memref<1x64x128xf32, #tpu.memory_space<vmem>>
      %dma_start3A_228 = tpu.memref_squeeze %dma_start3A_227 : memref<1x64x128xf32, #tpu.memory_space<vmem>> -> memref<64x128xf32, #tpu.memory_space<vmem>>
      tpu.enqueue_dma source(%dma_start3A_228 : memref<64x128xf32, #tpu.memory_space<vmem>>) target(%dma_start3A_224 : memref<64x128xf32, #tpu.memory_space<hbm>>) target_semaphore(%arg19 : memref<!tpu.dma_semaphore, #tpu.memory_space<semaphore_mem>>)
      %dma_wait3A_229 = arith.constant 0 : i32
      %dma_wait3A_230 = arith.constant 4 : i32
      %dma_wait3A_231 = arith.constant 0 : i32
      %dma_wait3A_232 = arith.constant 0 : i32
      %dma_wait3A_233 = tpu.memref_slice %arg7[%dma_wait3A_230, %dma_wait3A_231, %dma_wait3A_232] : memref<8x64x128xf32, #tpu.memory_space<vmem>> -> memref<1x64x128xf32, #tpu.memory_space<vmem>>
      %dma_wait3A_234 = tpu.memref_squeeze %dma_wait3A_233 : memref<1x64x128xf32, #tpu.memory_space<vmem>> -> memref<64x128xf32, #tpu.memory_space<vmem>>
      %dma_wait3A_235 = arith.constant 0 : i32
      %dma_wait3A_236 = tpu.memref_slice %arg5[%dma_wait3A_229, %dma_wait3A_235] : memref<400x64xi32, #tpu.memory_space<vmem>> -> memref<1x64xi32, #tpu.memory_space<vmem>>
      %dma_wait3A_237 = tpu.memref_squeeze %dma_wait3A_236 : memref<1x64xi32, #tpu.memory_space<vmem>> -> memref<64xi32, #tpu.memory_space<vmem>>
      %dma_wait3A_238 = arith.constant 0 : i32
      %dma_wait3A_239 = arith.constant 0 : i32
      %dma_wait3A_240 = tpu.memref_slice %arg6[%dma_wait3A_238, %dma_wait3A_239] : memref<200x128xf32, #tpu.memory_space<vmem_shared>> -> memref<200x128xf32, #tpu.memory_space<vmem_shared>>
      tpu.wait_indirect_dma semaphore(%arg12 : memref<!tpu.dma_semaphore, #tpu.memory_space<semaphore_mem>>) src(%dma_wait3A_240 : memref<200x128xf32, #tpu.memory_space<vmem_shared>>) dst(%dma_wait3A_234 : memref<64x128xf32, #tpu.memory_space<vmem>>)
      %add3A_241 = arith.constant 4 : i32
      %add3A_242 = arith.addi %mul3A_109, %add3A_241 : i32
      %mul3A_243 = arith.constant 64 : i32
      %mul3A_244 = arith.muli %add3A_242, %mul3A_243 : i32
      %add3A_245 = arith.addi %mul3A_2, %mul3A_244 : i32
      %dma_start3A_246 = arith.constant 4 : i32
      %dma_start3A_247 = arith.constant 0 : i32
      %dma_start3A_248 = arith.constant 0 : i32
      %dma_start3A_249 = tpu.memref_slice %arg7[%dma_start3A_246, %dma_start3A_247, %dma_start3A_248] : memref<8x64x128xf32, #tpu.memory_space<vmem>> -> memref<1x64x128xf32, #tpu.memory_space<vmem>>
      %dma_start3A_250 = tpu.memref_squeeze %dma_start3A_249 : memref<1x64x128xf32, #tpu.memory_space<vmem>> -> memref<64x128xf32, #tpu.memory_space<vmem>>
      %dma_start3A_251 = arith.constant 0 : i32
      %dma_start3A_252 = tpu.memref_slice %arg4[%add3A_245, %dma_start3A_251] : memref<819200x128xf32, #tpu.memory_space<hbm>> -> memref<64x128xf32, #tpu.memory_space<hbm>>
      %dma_start3A_253 = arith.constant 0 : i32
      %dma_start3A_254 = tpu.memref_slice %arg4[%add3A_245, %dma_start3A_253] : memref<819200x128xf32, #tpu.memory_space<hbm>> -> memref<64x128xf32, #tpu.memory_space<hbm>>
      %dma_start3A_255 = arith.constant 0 : i32
      %dma_start3A_256 = arith.constant 0 : i32
      %dma_start3A_257 = tpu.memref_slice %arg7[%dma_start3A_246, %dma_start3A_255, %dma_start3A_256] : memref<8x64x128xf32, #tpu.memory_space<vmem>> -> memref<1x64x128xf32, #tpu.memory_space<vmem>>
      %dma_start3A_258 = tpu.memref_squeeze %dma_start3A_257 : memref<1x64x128xf32, #tpu.memory_space<vmem>> -> memref<64x128xf32, #tpu.memory_space<vmem>>
      tpu.enqueue_dma source(%dma_start3A_258 : memref<64x128xf32, #tpu.memory_space<vmem>>) target(%dma_start3A_254 : memref<64x128xf32, #tpu.memory_space<hbm>>) target_semaphore(%arg20 : memref<!tpu.dma_semaphore, #tpu.memory_space<semaphore_mem>>)
      %dma_wait3A_259 = arith.constant 0 : i32
      %dma_wait3A_260 = arith.constant 5 : i32
      %dma_wait3A_261 = arith.constant 0 : i32
      %dma_wait3A_262 = arith.constant 0 : i32
      %dma_wait3A_263 = tpu.memref_slice %arg7[%dma_wait3A_260, %dma_wait3A_261, %dma_wait3A_262] : memref<8x64x128xf32, #tpu.memory_space<vmem>> -> memref<1x64x128xf32, #tpu.memory_space<vmem>>
      %dma_wait3A_264 = tpu.memref_squeeze %dma_wait3A_263 : memref<1x64x128xf32, #tpu.memory_space<vmem>> -> memref<64x128xf32, #tpu.memory_space<vmem>>
      %dma_wait3A_265 = arith.constant 0 : i32
      %dma_wait3A_266 = tpu.memref_slice %arg5[%dma_wait3A_259, %dma_wait3A_265] : memref<400x64xi32, #tpu.memory_space<vmem>> -> memref<1x64xi32, #tpu.memory_space<vmem>>
      %dma_wait3A_267 = tpu.memref_squeeze %dma_wait3A_266 : memref<1x64xi32, #tpu.memory_space<vmem>> -> memref<64xi32, #tpu.memory_space<vmem>>
      %dma_wait3A_268 = arith.constant 0 : i32
      %dma_wait3A_269 = arith.constant 0 : i32
      %dma_wait3A_270 = tpu.memref_slice %arg6[%dma_wait3A_268, %dma_wait3A_269] : memref<200x128xf32, #tpu.memory_space<vmem_shared>> -> memref<200x128xf32, #tpu.memory_space<vmem_shared>>
      tpu.wait_indirect_dma semaphore(%arg13 : memref<!tpu.dma_semaphore, #tpu.memory_space<semaphore_mem>>) src(%dma_wait3A_270 : memref<200x128xf32, #tpu.memory_space<vmem_shared>>) dst(%dma_wait3A_264 : memref<64x128xf32, #tpu.memory_space<vmem>>)
      %add3A_271 = arith.constant 5 : i32
      %add3A_272 = arith.addi %mul3A_109, %add3A_271 : i32
      %mul3A_273 = arith.constant 64 : i32
      %mul3A_274 = arith.muli %add3A_272, %mul3A_273 : i32
      %add3A_275 = arith.addi %mul3A_2, %mul3A_274 : i32
      %dma_start3A_276 = arith.constant 5 : i32
      %dma_start3A_277 = arith.constant 0 : i32
      %dma_start3A_278 = arith.constant 0 : i32
      %dma_start3A_279 = tpu.memref_slice %arg7[%dma_start3A_276, %dma_start3A_277, %dma_start3A_278] : memref<8x64x128xf32, #tpu.memory_space<vmem>> -> memref<1x64x128xf32, #tpu.memory_space<vmem>>
      %dma_start3A_280 = tpu.memref_squeeze %dma_start3A_279 : memref<1x64x128xf32, #tpu.memory_space<vmem>> -> memref<64x128xf32, #tpu.memory_space<vmem>>
      %dma_start3A_281 = arith.constant 0 : i32
      %dma_start3A_282 = tpu.memref_slice %arg4[%add3A_275, %dma_start3A_281] : memref<819200x128xf32, #tpu.memory_space<hbm>> -> memref<64x128xf32, #tpu.memory_space<hbm>>
      %dma_start3A_283 = arith.constant 0 : i32
      %dma_start3A_284 = tpu.memref_slice %arg4[%add3A_275, %dma_start3A_283] : memref<819200x128xf32, #tpu.memory_space<hbm>> -> memref<64x128xf32, #tpu.memory_space<hbm>>
      %dma_start3A_285 = arith.constant 0 : i32
      %dma_start3A_286 = arith.constant 0 : i32
      %dma_start3A_287 = tpu.memref_slice %arg7[%dma_start3A_276, %dma_start3A_285, %dma_start3A_286] : memref<8x64x128xf32, #tpu.memory_space<vmem>> -> memref<1x64x128xf32, #tpu.memory_space<vmem>>
      %dma_start3A_288 = tpu.memref_squeeze %dma_start3A_287 : memref<1x64x128xf32, #tpu.memory_space<vmem>> -> memref<64x128xf32, #tpu.memory_space<vmem>>
      tpu.enqueue_dma source(%dma_start3A_288 : memref<64x128xf32, #tpu.memory_space<vmem>>) target(%dma_start3A_284 : memref<64x128xf32, #tpu.memory_space<hbm>>) target_semaphore(%arg21 : memref<!tpu.dma_semaphore, #tpu.memory_space<semaphore_mem>>)
      %dma_wait3A_289 = arith.constant 0 : i32
      %dma_wait3A_290 = arith.constant 6 : i32
      %dma_wait3A_291 = arith.constant 0 : i32
      %dma_wait3A_292 = arith.constant 0 : i32
      %dma_wait3A_293 = tpu.memref_slice %arg7[%dma_wait3A_290, %dma_wait3A_291, %dma_wait3A_292] : memref<8x64x128xf32, #tpu.memory_space<vmem>> -> memref<1x64x128xf32, #tpu.memory_space<vmem>>
      %dma_wait3A_294 = tpu.memref_squeeze %dma_wait3A_293 : memref<1x64x128xf32, #tpu.memory_space<vmem>> -> memref<64x128xf32, #tpu.memory_space<vmem>>
      %dma_wait3A_295 = arith.constant 0 : i32
      %dma_wait3A_296 = tpu.memref_slice %arg5[%dma_wait3A_289, %dma_wait3A_295] : memref<400x64xi32, #tpu.memory_space<vmem>> -> memref<1x64xi32, #tpu.memory_space<vmem>>
      %dma_wait3A_297 = tpu.memref_squeeze %dma_wait3A_296 : memref<1x64xi32, #tpu.memory_space<vmem>> -> memref<64xi32, #tpu.memory_space<vmem>>
      %dma_wait3A_298 = arith.constant 0 : i32
      %dma_wait3A_299 = arith.constant 0 : i32
      %dma_wait3A_300 = tpu.memref_slice %arg6[%dma_wait3A_298, %dma_wait3A_299] : memref<200x128xf32, #tpu.memory_space<vmem_shared>> -> memref<200x128xf32, #tpu.memory_space<vmem_shared>>
      tpu.wait_indirect_dma semaphore(%arg14 : memref<!tpu.dma_semaphore, #tpu.memory_space<semaphore_mem>>) src(%dma_wait3A_300 : memref<200x128xf32, #tpu.memory_space<vmem_shared>>) dst(%dma_wait3A_294 : memref<64x128xf32, #tpu.memory_space<vmem>>)
      %add3A_301 = arith.constant 6 : i32
      %add3A_302 = arith.addi %mul3A_109, %add3A_301 : i32
      %mul3A_303 = arith.constant 64 : i32
      %mul3A_304 = arith.muli %add3A_302, %mul3A_303 : i32
      %add3A_305 = arith.addi %mul3A_2, %mul3A_304 : i32
      %dma_start3A_306 = arith.constant 6 : i32
      %dma_start3A_307 = arith.constant 0 : i32
      %dma_start3A_308 = arith.constant 0 : i32
      %dma_start3A_309 = tpu.memref_slice %arg7[%dma_start3A_306, %dma_start3A_307, %dma_start3A_308] : memref<8x64x128xf32, #tpu.memory_space<vmem>> -> memref<1x64x128xf32, #tpu.memory_space<vmem>>
      %dma_start3A_310 = tpu.memref_squeeze %dma_start3A_309 : memref<1x64x128xf32, #tpu.memory_space<vmem>> -> memref<64x128xf32, #tpu.memory_space<vmem>>
      %dma_start3A_311 = arith.constant 0 : i32
      %dma_start3A_312 = tpu.memref_slice %arg4[%add3A_305, %dma_start3A_311] : memref<819200x128xf32, #tpu.memory_space<hbm>> -> memref<64x128xf32, #tpu.memory_space<hbm>>
      %dma_start3A_313 = arith.constant 0 : i32
      %dma_start3A_314 = tpu.memref_slice %arg4[%add3A_305, %dma_start3A_313] : memref<819200x128xf32, #tpu.memory_space<hbm>> -> memref<64x128xf32, #tpu.memory_space<hbm>>
      %dma_start3A_315 = arith.constant 0 : i32
      %dma_start3A_316 = arith.constant 0 : i32
      %dma_start3A_317 = tpu.memref_slice %arg7[%dma_start3A_306, %dma_start3A_315, %dma_start3A_316] : memref<8x64x128xf32, #tpu.memory_space<vmem>> -> memref<1x64x128xf32, #tpu.memory_space<vmem>>
      %dma_start3A_318 = tpu.memref_squeeze %dma_start3A_317 : memref<1x64x128xf32, #tpu.memory_space<vmem>> -> memref<64x128xf32, #tpu.memory_space<vmem>>
      tpu.enqueue_dma source(%dma_start3A_318 : memref<64x128xf32, #tpu.memory_space<vmem>>) target(%dma_start3A_314 : memref<64x128xf32, #tpu.memory_space<hbm>>) target_semaphore(%arg22 : memref<!tpu.dma_semaphore, #tpu.memory_space<semaphore_mem>>)
      %dma_wait3A_319 = arith.constant 0 : i32
      %dma_wait3A_320 = arith.constant 7 : i32
      %dma_wait3A_321 = arith.constant 0 : i32
      %dma_wait3A_322 = arith.constant 0 : i32
      %dma_wait3A_323 = tpu.memref_slice %arg7[%dma_wait3A_320, %dma_wait3A_321, %dma_wait3A_322] : memref<8x64x128xf32, #tpu.memory_space<vmem>> -> memref<1x64x128xf32, #tpu.memory_space<vmem>>
      %dma_wait3A_324 = tpu.memref_squeeze %dma_wait3A_323 : memref<1x64x128xf32, #tpu.memory_space<vmem>> -> memref<64x128xf32, #tpu.memory_space<vmem>>
      %dma_wait3A_325 = arith.constant 0 : i32
      %dma_wait3A_326 = tpu.memref_slice %arg5[%dma_wait3A_319, %dma_wait3A_325] : memref<400x64xi32, #tpu.memory_space<vmem>> -> memref<1x64xi32, #tpu.memory_space<vmem>>
      %dma_wait3A_327 = tpu.memref_squeeze %dma_wait3A_326 : memref<1x64xi32, #tpu.memory_space<vmem>> -> memref<64xi32, #tpu.memory_space<vmem>>
      %dma_wait3A_328 = arith.constant 0 : i32
      %dma_wait3A_329 = arith.constant 0 : i32
      %dma_wait3A_330 = tpu.memref_slice %arg6[%dma_wait3A_328, %dma_wait3A_329] : memref<200x128xf32, #tpu.memory_space<vmem_shared>> -> memref<200x128xf32, #tpu.memory_space<vmem_shared>>
      tpu.wait_indirect_dma semaphore(%arg15 : memref<!tpu.dma_semaphore, #tpu.memory_space<semaphore_mem>>) src(%dma_wait3A_330 : memref<200x128xf32, #tpu.memory_space<vmem_shared>>) dst(%dma_wait3A_324 : memref<64x128xf32, #tpu.memory_space<vmem>>)
      %add3A_331 = arith.constant 7 : i32
      %add3A_332 = arith.addi %mul3A_109, %add3A_331 : i32
      %mul3A_333 = arith.constant 64 : i32
      %mul3A_334 = arith.muli %add3A_332, %mul3A_333 : i32
      %add3A_335 = arith.addi %mul3A_2, %mul3A_334 : i32
      %dma_start3A_336 = arith.constant 7 : i32
      %dma_start3A_337 = arith.constant 0 : i32
      %dma_start3A_338 = arith.constant 0 : i32
      %dma_start3A_339 = tpu.memref_slice %arg7[%dma_start3A_336, %dma_start3A_337, %dma_start3A_338] : memref<8x64x128xf32, #tpu.memory_space<vmem>> -> memref<1x64x128xf32, #tpu.memory_space<vmem>>
      %dma_start3A_340 = tpu.memref_squeeze %dma_start3A_339 : memref<1x64x128xf32, #tpu.memory_space<vmem>> -> memref<64x128xf32, #tpu.memory_space<vmem>>
      %dma_start3A_341 = arith.constant 0 : i32
      %dma_start3A_342 = tpu.memref_slice %arg4[%add3A_335, %dma_start3A_341] : memref<819200x128xf32, #tpu.memory_space<hbm>> -> memref<64x128xf32, #tpu.memory_space<hbm>>
      %dma_start3A_343 = arith.constant 0 : i32
      %dma_start3A_344 = tpu.memref_slice %arg4[%add3A_335, %dma_start3A_343] : memref<819200x128xf32, #tpu.memory_space<hbm>> -> memref<64x128xf32, #tpu.memory_space<hbm>>
      %dma_start3A_345 = arith.constant 0 : i32
      %dma_start3A_346 = arith.constant 0 : i32
      %dma_start3A_347 = tpu.memref_slice %arg7[%dma_start3A_336, %dma_start3A_345, %dma_start3A_346] : memref<8x64x128xf32, #tpu.memory_space<vmem>> -> memref<1x64x128xf32, #tpu.memory_space<vmem>>
      %dma_start3A_348 = tpu.memref_squeeze %dma_start3A_347 : memref<1x64x128xf32, #tpu.memory_space<vmem>> -> memref<64x128xf32, #tpu.memory_space<vmem>>
      tpu.enqueue_dma source(%dma_start3A_348 : memref<64x128xf32, #tpu.memory_space<vmem>>) target(%dma_start3A_344 : memref<64x128xf32, #tpu.memory_space<hbm>>) target_semaphore(%arg23 : memref<!tpu.dma_semaphore, #tpu.memory_space<semaphore_mem>>)
      %dma_wait3A_349 = arith.constant 0 : i32
      %dma_wait3A_350 = arith.constant 0 : i32
      %dma_wait3A_351 = arith.constant 0 : i32
      %dma_wait3A_352 = tpu.memref_slice %arg7[%dma_wait3A_349, %dma_wait3A_350, %dma_wait3A_351] : memref<8x64x128xf32, #tpu.memory_space<vmem>> -> memref<1x64x128xf32, #tpu.memory_space<vmem>>
      %dma_wait3A_353 = tpu.memref_squeeze %dma_wait3A_352 : memref<1x64x128xf32, #tpu.memory_space<vmem>> -> memref<64x128xf32, #tpu.memory_space<vmem>>
      %dma_wait3A_354 = arith.constant 0 : i32
      %dma_wait3A_355 = tpu.memref_slice %arg4[%mul3A_2, %dma_wait3A_354] : memref<819200x128xf32, #tpu.memory_space<hbm>> -> memref<64x128xf32, #tpu.memory_space<hbm>>
      %dma_wait3A_356 = arith.constant 0 : i32
      %dma_wait3A_357 = tpu.memref_slice %arg4[%mul3A_2, %dma_wait3A_356] : memref<819200x128xf32, #tpu.memory_space<hbm>> -> memref<64x128xf32, #tpu.memory_space<hbm>>
      %dma_wait3A_358 = arith.constant 0 : i32
      %dma_wait3A_359 = arith.constant 0 : i32
      %dma_wait3A_360 = tpu.memref_slice %arg7[%dma_wait3A_349, %dma_wait3A_358, %dma_wait3A_359] : memref<8x64x128xf32, #tpu.memory_space<vmem>> -> memref<1x64x128xf32, #tpu.memory_space<vmem>>
      %dma_wait3A_361 = tpu.memref_squeeze %dma_wait3A_360 : memref<1x64x128xf32, #tpu.memory_space<vmem>> -> memref<64x128xf32, #tpu.memory_space<vmem>>
      tpu.wait_dma2 semaphore(%arg16 : memref<!tpu.dma_semaphore, #tpu.memory_space<semaphore_mem>>) src(%dma_wait3A_361 : memref<64x128xf32, #tpu.memory_space<vmem>>) dst(%dma_wait3A_357 : memref<64x128xf32, #tpu.memory_space<hbm>>)
      %lt3A = arith.constant 49 : i32
      %lt3A_362 = arith.cmpi slt, %scan3A_106, %lt3A : i32
      %convert_element_type3A_363 = arith.extui %lt3A_362 : i1 to i32
      %cond3A_364 = arith.constant 0 : i32
      %cond3A_365 = arith.cmpi ne, %convert_element_type3A_363, %cond3A_364 : i32
      scf.if %cond3A_365 {
        %add3A_493 = arith.constant 8 : i32
        %add3A_494 = arith.addi %mul3A_109, %add3A_493 : i32
        %add3A_495 = arith.constant 0 : i32
        %add3A_496 = arith.addi %add3A_494, %add3A_495 : i32
        %dma_start3A_497 = arith.constant 0 : i32
        %dma_start3A_498 = arith.constant 0 : i32
        %dma_start3A_499 = arith.constant 0 : i32
        %dma_start3A_500 = tpu.memref_slice %arg7[%dma_start3A_497, %dma_start3A_498, %dma_start3A_499] : memref<8x64x128xf32, #tpu.memory_space<vmem>> -> memref<1x64x128xf32, #tpu.memory_space<vmem>>
        %dma_start3A_501 = tpu.memref_squeeze %dma_start3A_500 : memref<1x64x128xf32, #tpu.memory_space<vmem>> -> memref<64x128xf32, #tpu.memory_space<vmem>>
        %dma_start3A_502 = arith.constant 0 : i32
        %dma_start3A_503 = tpu.memref_slice %arg5[%add3A_496, %dma_start3A_502] : memref<400x64xi32, #tpu.memory_space<vmem>> -> memref<1x64xi32, #tpu.memory_space<vmem>>
        %dma_start3A_504 = tpu.memref_squeeze %dma_start3A_503 : memref<1x64xi32, #tpu.memory_space<vmem>> -> memref<64xi32, #tpu.memory_space<vmem>>
        %dma_start3A_505 = arith.constant 0 : i32
        %dma_start3A_506 = arith.constant 0 : i32
        %dma_start3A_507 = tpu.memref_slice %arg6[%dma_start3A_505, %dma_start3A_506] : memref<200x128xf32, #tpu.memory_space<vmem_shared>> -> memref<200x128xf32, #tpu.memory_space<vmem_shared>>
        tpu.enqueue_indirect_dma source(%dma_start3A_507 : memref<200x128xf32, #tpu.memory_space<vmem_shared>>) target(%dma_start3A_501 : memref<64x128xf32, #tpu.memory_space<vmem>>) offsets(%dma_start3A_504 : memref<64xi32, #tpu.memory_space<vmem>>) semaphore(%arg8 : memref<!tpu.dma_semaphore, #tpu.memory_space<semaphore_mem>>)
      } else {
      }
      %dma_wait3A_366 = arith.constant 1 : i32
      %dma_wait3A_367 = arith.constant 0 : i32
      %dma_wait3A_368 = arith.constant 0 : i32
      %dma_wait3A_369 = tpu.memref_slice %arg7[%dma_wait3A_366, %dma_wait3A_367, %dma_wait3A_368] : memref<8x64x128xf32, #tpu.memory_space<vmem>> -> memref<1x64x128xf32, #tpu.memory_space<vmem>>
      %dma_wait3A_370 = tpu.memref_squeeze %dma_wait3A_369 : memref<1x64x128xf32, #tpu.memory_space<vmem>> -> memref<64x128xf32, #tpu.memory_space<vmem>>
      %dma_wait3A_371 = arith.constant 0 : i32
      %dma_wait3A_372 = tpu.memref_slice %arg4[%mul3A_2, %dma_wait3A_371] : memref<819200x128xf32, #tpu.memory_space<hbm>> -> memref<64x128xf32, #tpu.memory_space<hbm>>
      %dma_wait3A_373 = arith.constant 0 : i32
      %dma_wait3A_374 = tpu.memref_slice %arg4[%mul3A_2, %dma_wait3A_373] : memref<819200x128xf32, #tpu.memory_space<hbm>> -> memref<64x128xf32, #tpu.memory_space<hbm>>
      %dma_wait3A_375 = arith.constant 0 : i32
      %dma_wait3A_376 = arith.constant 0 : i32
      %dma_wait3A_377 = tpu.memref_slice %arg7[%dma_wait3A_366, %dma_wait3A_375, %dma_wait3A_376] : memref<8x64x128xf32, #tpu.memory_space<vmem>> -> memref<1x64x128xf32, #tpu.memory_space<vmem>>
      %dma_wait3A_378 = tpu.memref_squeeze %dma_wait3A_377 : memref<1x64x128xf32, #tpu.memory_space<vmem>> -> memref<64x128xf32, #tpu.memory_space<vmem>>
      tpu.wait_dma2 semaphore(%arg17 : memref<!tpu.dma_semaphore, #tpu.memory_space<semaphore_mem>>) src(%dma_wait3A_378 : memref<64x128xf32, #tpu.memory_space<vmem>>) dst(%dma_wait3A_374 : memref<64x128xf32, #tpu.memory_space<hbm>>)
      %lt3A_379 = arith.constant 49 : i32
      %lt3A_380 = arith.cmpi slt, %scan3A_106, %lt3A_379 : i32
      %convert_element_type3A_381 = arith.extui %lt3A_380 : i1 to i32
      %cond3A_382 = arith.constant 0 : i32
      %cond3A_383 = arith.cmpi ne, %convert_element_type3A_381, %cond3A_382 : i32
      scf.if %cond3A_383 {
        %add3A_493 = arith.constant 8 : i32
        %add3A_494 = arith.addi %mul3A_109, %add3A_493 : i32
        %add3A_495 = arith.constant 1 : i32
        %add3A_496 = arith.addi %add3A_494, %add3A_495 : i32
        %dma_start3A_497 = arith.constant 1 : i32
        %dma_start3A_498 = arith.constant 0 : i32
        %dma_start3A_499 = arith.constant 0 : i32
        %dma_start3A_500 = tpu.memref_slice %arg7[%dma_start3A_497, %dma_start3A_498, %dma_start3A_499] : memref<8x64x128xf32, #tpu.memory_space<vmem>> -> memref<1x64x128xf32, #tpu.memory_space<vmem>>
        %dma_start3A_501 = tpu.memref_squeeze %dma_start3A_500 : memref<1x64x128xf32, #tpu.memory_space<vmem>> -> memref<64x128xf32, #tpu.memory_space<vmem>>
        %dma_start3A_502 = arith.constant 0 : i32
        %dma_start3A_503 = tpu.memref_slice %arg5[%add3A_496, %dma_start3A_502] : memref<400x64xi32, #tpu.memory_space<vmem>> -> memref<1x64xi32, #tpu.memory_space<vmem>>
        %dma_start3A_504 = tpu.memref_squeeze %dma_start3A_503 : memref<1x64xi32, #tpu.memory_space<vmem>> -> memref<64xi32, #tpu.memory_space<vmem>>
        %dma_start3A_505 = arith.constant 0 : i32
        %dma_start3A_506 = arith.constant 0 : i32
        %dma_start3A_507 = tpu.memref_slice %arg6[%dma_start3A_505, %dma_start3A_506] : memref<200x128xf32, #tpu.memory_space<vmem_shared>> -> memref<200x128xf32, #tpu.memory_space<vmem_shared>>
        tpu.enqueue_indirect_dma source(%dma_start3A_507 : memref<200x128xf32, #tpu.memory_space<vmem_shared>>) target(%dma_start3A_501 : memref<64x128xf32, #tpu.memory_space<vmem>>) offsets(%dma_start3A_504 : memref<64xi32, #tpu.memory_space<vmem>>) semaphore(%arg9 : memref<!tpu.dma_semaphore, #tpu.memory_space<semaphore_mem>>)
      } else {
      }
      %dma_wait3A_384 = arith.constant 2 : i32
      %dma_wait3A_385 = arith.constant 0 : i32
      %dma_wait3A_386 = arith.constant 0 : i32
      %dma_wait3A_387 = tpu.memref_slice %arg7[%dma_wait3A_384, %dma_wait3A_385, %dma_wait3A_386] : memref<8x64x128xf32, #tpu.memory_space<vmem>> -> memref<1x64x128xf32, #tpu.memory_space<vmem>>
      %dma_wait3A_388 = tpu.memref_squeeze %dma_wait3A_387 : memref<1x64x128xf32, #tpu.memory_space<vmem>> -> memref<64x128xf32, #tpu.memory_space<vmem>>
      %dma_wait3A_389 = arith.constant 0 : i32
      %dma_wait3A_390 = tpu.memref_slice %arg4[%mul3A_2, %dma_wait3A_389] : memref<819200x128xf32, #tpu.memory_space<hbm>> -> memref<64x128xf32, #tpu.memory_space<hbm>>
      %dma_wait3A_391 = arith.constant 0 : i32
      %dma_wait3A_392 = tpu.memref_slice %arg4[%mul3A_2, %dma_wait3A_391] : memref<819200x128xf32, #tpu.memory_space<hbm>> -> memref<64x128xf32, #tpu.memory_space<hbm>>
      %dma_wait3A_393 = arith.constant 0 : i32
      %dma_wait3A_394 = arith.constant 0 : i32
      %dma_wait3A_395 = tpu.memref_slice %arg7[%dma_wait3A_384, %dma_wait3A_393, %dma_wait3A_394] : memref<8x64x128xf32, #tpu.memory_space<vmem>> -> memref<1x64x128xf32, #tpu.memory_space<vmem>>
      %dma_wait3A_396 = tpu.memref_squeeze %dma_wait3A_395 : memref<1x64x128xf32, #tpu.memory_space<vmem>> -> memref<64x128xf32, #tpu.memory_space<vmem>>
      tpu.wait_dma2 semaphore(%arg18 : memref<!tpu.dma_semaphore, #tpu.memory_space<semaphore_mem>>) src(%dma_wait3A_396 : memref<64x128xf32, #tpu.memory_space<vmem>>) dst(%dma_wait3A_392 : memref<64x128xf32, #tpu.memory_space<hbm>>)
      %lt3A_397 = arith.constant 49 : i32
      %lt3A_398 = arith.cmpi slt, %scan3A_106, %lt3A_397 : i32
      %convert_element_type3A_399 = arith.extui %lt3A_398 : i1 to i32
      %cond3A_400 = arith.constant 0 : i32
      %cond3A_401 = arith.cmpi ne, %convert_element_type3A_399, %cond3A_400 : i32
      scf.if %cond3A_401 {
        %add3A_493 = arith.constant 8 : i32
        %add3A_494 = arith.addi %mul3A_109, %add3A_493 : i32
        %add3A_495 = arith.constant 2 : i32
        %add3A_496 = arith.addi %add3A_494, %add3A_495 : i32
        %dma_start3A_497 = arith.constant 2 : i32
        %dma_start3A_498 = arith.constant 0 : i32
        %dma_start3A_499 = arith.constant 0 : i32
        %dma_start3A_500 = tpu.memref_slice %arg7[%dma_start3A_497, %dma_start3A_498, %dma_start3A_499] : memref<8x64x128xf32, #tpu.memory_space<vmem>> -> memref<1x64x128xf32, #tpu.memory_space<vmem>>
        %dma_start3A_501 = tpu.memref_squeeze %dma_start3A_500 : memref<1x64x128xf32, #tpu.memory_space<vmem>> -> memref<64x128xf32, #tpu.memory_space<vmem>>
        %dma_start3A_502 = arith.constant 0 : i32
        %dma_start3A_503 = tpu.memref_slice %arg5[%add3A_496, %dma_start3A_502] : memref<400x64xi32, #tpu.memory_space<vmem>> -> memref<1x64xi32, #tpu.memory_space<vmem>>
        %dma_start3A_504 = tpu.memref_squeeze %dma_start3A_503 : memref<1x64xi32, #tpu.memory_space<vmem>> -> memref<64xi32, #tpu.memory_space<vmem>>
        %dma_start3A_505 = arith.constant 0 : i32
        %dma_start3A_506 = arith.constant 0 : i32
        %dma_start3A_507 = tpu.memref_slice %arg6[%dma_start3A_505, %dma_start3A_506] : memref<200x128xf32, #tpu.memory_space<vmem_shared>> -> memref<200x128xf32, #tpu.memory_space<vmem_shared>>
        tpu.enqueue_indirect_dma source(%dma_start3A_507 : memref<200x128xf32, #tpu.memory_space<vmem_shared>>) target(%dma_start3A_501 : memref<64x128xf32, #tpu.memory_space<vmem>>) offsets(%dma_start3A_504 : memref<64xi32, #tpu.memory_space<vmem>>) semaphore(%arg10 : memref<!tpu.dma_semaphore, #tpu.memory_space<semaphore_mem>>)
      } else {
      }
      %dma_wait3A_402 = arith.constant 3 : i32
      %dma_wait3A_403 = arith.constant 0 : i32
      %dma_wait3A_404 = arith.constant 0 : i32
      %dma_wait3A_405 = tpu.memref_slice %arg7[%dma_wait3A_402, %dma_wait3A_403, %dma_wait3A_404] : memref<8x64x128xf32, #tpu.memory_space<vmem>> -> memref<1x64x128xf32, #tpu.memory_space<vmem>>
      %dma_wait3A_406 = tpu.memref_squeeze %dma_wait3A_405 : memref<1x64x128xf32, #tpu.memory_space<vmem>> -> memref<64x128xf32, #tpu.memory_space<vmem>>
      %dma_wait3A_407 = arith.constant 0 : i32
      %dma_wait3A_408 = tpu.memref_slice %arg4[%mul3A_2, %dma_wait3A_407] : memref<819200x128xf32, #tpu.memory_space<hbm>> -> memref<64x128xf32, #tpu.memory_space<hbm>>
      %dma_wait3A_409 = arith.constant 0 : i32
      %dma_wait3A_410 = tpu.memref_slice %arg4[%mul3A_2, %dma_wait3A_409] : memref<819200x128xf32, #tpu.memory_space<hbm>> -> memref<64x128xf32, #tpu.memory_space<hbm>>
      %dma_wait3A_411 = arith.constant 0 : i32
      %dma_wait3A_412 = arith.constant 0 : i32
      %dma_wait3A_413 = tpu.memref_slice %arg7[%dma_wait3A_402, %dma_wait3A_411, %dma_wait3A_412] : memref<8x64x128xf32, #tpu.memory_space<vmem>> -> memref<1x64x128xf32, #tpu.memory_space<vmem>>
      %dma_wait3A_414 = tpu.memref_squeeze %dma_wait3A_413 : memref<1x64x128xf32, #tpu.memory_space<vmem>> -> memref<64x128xf32, #tpu.memory_space<vmem>>
      tpu.wait_dma2 semaphore(%arg19 : memref<!tpu.dma_semaphore, #tpu.memory_space<semaphore_mem>>) src(%dma_wait3A_414 : memref<64x128xf32, #tpu.memory_space<vmem>>) dst(%dma_wait3A_410 : memref<64x128xf32, #tpu.memory_space<hbm>>)
      %lt3A_415 = arith.constant 49 : i32
      %lt3A_416 = arith.cmpi slt, %scan3A_106, %lt3A_415 : i32
      %convert_element_type3A_417 = arith.extui %lt3A_416 : i1 to i32
      %cond3A_418 = arith.constant 0 : i32
      %cond3A_419 = arith.cmpi ne, %convert_element_type3A_417, %cond3A_418 : i32
      scf.if %cond3A_419 {
        %add3A_493 = arith.constant 8 : i32
        %add3A_494 = arith.addi %mul3A_109, %add3A_493 : i32
        %add3A_495 = arith.constant 3 : i32
        %add3A_496 = arith.addi %add3A_494, %add3A_495 : i32
        %dma_start3A_497 = arith.constant 3 : i32
        %dma_start3A_498 = arith.constant 0 : i32
        %dma_start3A_499 = arith.constant 0 : i32
        %dma_start3A_500 = tpu.memref_slice %arg7[%dma_start3A_497, %dma_start3A_498, %dma_start3A_499] : memref<8x64x128xf32, #tpu.memory_space<vmem>> -> memref<1x64x128xf32, #tpu.memory_space<vmem>>
        %dma_start3A_501 = tpu.memref_squeeze %dma_start3A_500 : memref<1x64x128xf32, #tpu.memory_space<vmem>> -> memref<64x128xf32, #tpu.memory_space<vmem>>
        %dma_start3A_502 = arith.constant 0 : i32
        %dma_start3A_503 = tpu.memref_slice %arg5[%add3A_496, %dma_start3A_502] : memref<400x64xi32, #tpu.memory_space<vmem>> -> memref<1x64xi32, #tpu.memory_space<vmem>>
        %dma_start3A_504 = tpu.memref_squeeze %dma_start3A_503 : memref<1x64xi32, #tpu.memory_space<vmem>> -> memref<64xi32, #tpu.memory_space<vmem>>
        %dma_start3A_505 = arith.constant 0 : i32
        %dma_start3A_506 = arith.constant 0 : i32
        %dma_start3A_507 = tpu.memref_slice %arg6[%dma_start3A_505, %dma_start3A_506] : memref<200x128xf32, #tpu.memory_space<vmem_shared>> -> memref<200x128xf32, #tpu.memory_space<vmem_shared>>
        tpu.enqueue_indirect_dma source(%dma_start3A_507 : memref<200x128xf32, #tpu.memory_space<vmem_shared>>) target(%dma_start3A_501 : memref<64x128xf32, #tpu.memory_space<vmem>>) offsets(%dma_start3A_504 : memref<64xi32, #tpu.memory_space<vmem>>) semaphore(%arg11 : memref<!tpu.dma_semaphore, #tpu.memory_space<semaphore_mem>>)
      } else {
      }
      %dma_wait3A_420 = arith.constant 4 : i32
      %dma_wait3A_421 = arith.constant 0 : i32
      %dma_wait3A_422 = arith.constant 0 : i32
      %dma_wait3A_423 = tpu.memref_slice %arg7[%dma_wait3A_420, %dma_wait3A_421, %dma_wait3A_422] : memref<8x64x128xf32, #tpu.memory_space<vmem>> -> memref<1x64x128xf32, #tpu.memory_space<vmem>>
      %dma_wait3A_424 = tpu.memref_squeeze %dma_wait3A_423 : memref<1x64x128xf32, #tpu.memory_space<vmem>> -> memref<64x128xf32, #tpu.memory_space<vmem>>
      %dma_wait3A_425 = arith.constant 0 : i32
      %dma_wait3A_426 = tpu.memref_slice %arg4[%mul3A_2, %dma_wait3A_425] : memref<819200x128xf32, #tpu.memory_space<hbm>> -> memref<64x128xf32, #tpu.memory_space<hbm>>
      %dma_wait3A_427 = arith.constant 0 : i32
      %dma_wait3A_428 = tpu.memref_slice %arg4[%mul3A_2, %dma_wait3A_427] : memref<819200x128xf32, #tpu.memory_space<hbm>> -> memref<64x128xf32, #tpu.memory_space<hbm>>
      %dma_wait3A_429 = arith.constant 0 : i32
      %dma_wait3A_430 = arith.constant 0 : i32
      %dma_wait3A_431 = tpu.memref_slice %arg7[%dma_wait3A_420, %dma_wait3A_429, %dma_wait3A_430] : memref<8x64x128xf32, #tpu.memory_space<vmem>> -> memref<1x64x128xf32, #tpu.memory_space<vmem>>
      %dma_wait3A_432 = tpu.memref_squeeze %dma_wait3A_431 : memref<1x64x128xf32, #tpu.memory_space<vmem>> -> memref<64x128xf32, #tpu.memory_space<vmem>>
      tpu.wait_dma2 semaphore(%arg20 : memref<!tpu.dma_semaphore, #tpu.memory_space<semaphore_mem>>) src(%dma_wait3A_432 : memref<64x128xf32, #tpu.memory_space<vmem>>) dst(%dma_wait3A_428 : memref<64x128xf32, #tpu.memory_space<hbm>>)
      %lt3A_433 = arith.constant 49 : i32
      %lt3A_434 = arith.cmpi slt, %scan3A_106, %lt3A_433 : i32
      %convert_element_type3A_435 = arith.extui %lt3A_434 : i1 to i32
      %cond3A_436 = arith.constant 0 : i32
      %cond3A_437 = arith.cmpi ne, %convert_element_type3A_435, %cond3A_436 : i32
      scf.if %cond3A_437 {
        %add3A_493 = arith.constant 8 : i32
        %add3A_494 = arith.addi %mul3A_109, %add3A_493 : i32
        %add3A_495 = arith.constant 4 : i32
        %add3A_496 = arith.addi %add3A_494, %add3A_495 : i32
        %dma_start3A_497 = arith.constant 4 : i32
        %dma_start3A_498 = arith.constant 0 : i32
        %dma_start3A_499 = arith.constant 0 : i32
        %dma_start3A_500 = tpu.memref_slice %arg7[%dma_start3A_497, %dma_start3A_498, %dma_start3A_499] : memref<8x64x128xf32, #tpu.memory_space<vmem>> -> memref<1x64x128xf32, #tpu.memory_space<vmem>>
        %dma_start3A_501 = tpu.memref_squeeze %dma_start3A_500 : memref<1x64x128xf32, #tpu.memory_space<vmem>> -> memref<64x128xf32, #tpu.memory_space<vmem>>
        %dma_start3A_502 = arith.constant 0 : i32
        %dma_start3A_503 = tpu.memref_slice %arg5[%add3A_496, %dma_start3A_502] : memref<400x64xi32, #tpu.memory_space<vmem>> -> memref<1x64xi32, #tpu.memory_space<vmem>>
        %dma_start3A_504 = tpu.memref_squeeze %dma_start3A_503 : memref<1x64xi32, #tpu.memory_space<vmem>> -> memref<64xi32, #tpu.memory_space<vmem>>
        %dma_start3A_505 = arith.constant 0 : i32
        %dma_start3A_506 = arith.constant 0 : i32
        %dma_start3A_507 = tpu.memref_slice %arg6[%dma_start3A_505, %dma_start3A_506] : memref<200x128xf32, #tpu.memory_space<vmem_shared>> -> memref<200x128xf32, #tpu.memory_space<vmem_shared>>
        tpu.enqueue_indirect_dma source(%dma_start3A_507 : memref<200x128xf32, #tpu.memory_space<vmem_shared>>) target(%dma_start3A_501 : memref<64x128xf32, #tpu.memory_space<vmem>>) offsets(%dma_start3A_504 : memref<64xi32, #tpu.memory_space<vmem>>) semaphore(%arg12 : memref<!tpu.dma_semaphore, #tpu.memory_space<semaphore_mem>>)
      } else {
      }
      %dma_wait3A_438 = arith.constant 5 : i32
      %dma_wait3A_439 = arith.constant 0 : i32
      %dma_wait3A_440 = arith.constant 0 : i32
      %dma_wait3A_441 = tpu.memref_slice %arg7[%dma_wait3A_438, %dma_wait3A_439, %dma_wait3A_440] : memref<8x64x128xf32, #tpu.memory_space<vmem>> -> memref<1x64x128xf32, #tpu.memory_space<vmem>>
      %dma_wait3A_442 = tpu.memref_squeeze %dma_wait3A_441 : memref<1x64x128xf32, #tpu.memory_space<vmem>> -> memref<64x128xf32, #tpu.memory_space<vmem>>
      %dma_wait3A_443 = arith.constant 0 : i32
      %dma_wait3A_444 = tpu.memref_slice %arg4[%mul3A_2, %dma_wait3A_443] : memref<819200x128xf32, #tpu.memory_space<hbm>> -> memref<64x128xf32, #tpu.memory_space<hbm>>
      %dma_wait3A_445 = arith.constant 0 : i32
      %dma_wait3A_446 = tpu.memref_slice %arg4[%mul3A_2, %dma_wait3A_445] : memref<819200x128xf32, #tpu.memory_space<hbm>> -> memref<64x128xf32, #tpu.memory_space<hbm>>
      %dma_wait3A_447 = arith.constant 0 : i32
      %dma_wait3A_448 = arith.constant 0 : i32
      %dma_wait3A_449 = tpu.memref_slice %arg7[%dma_wait3A_438, %dma_wait3A_447, %dma_wait3A_448] : memref<8x64x128xf32, #tpu.memory_space<vmem>> -> memref<1x64x128xf32, #tpu.memory_space<vmem>>
      %dma_wait3A_450 = tpu.memref_squeeze %dma_wait3A_449 : memref<1x64x128xf32, #tpu.memory_space<vmem>> -> memref<64x128xf32, #tpu.memory_space<vmem>>
      tpu.wait_dma2 semaphore(%arg21 : memref<!tpu.dma_semaphore, #tpu.memory_space<semaphore_mem>>) src(%dma_wait3A_450 : memref<64x128xf32, #tpu.memory_space<vmem>>) dst(%dma_wait3A_446 : memref<64x128xf32, #tpu.memory_space<hbm>>)
      %lt3A_451 = arith.constant 49 : i32
      %lt3A_452 = arith.cmpi slt, %scan3A_106, %lt3A_451 : i32
      %convert_element_type3A_453 = arith.extui %lt3A_452 : i1 to i32
      %cond3A_454 = arith.constant 0 : i32
      %cond3A_455 = arith.cmpi ne, %convert_element_type3A_453, %cond3A_454 : i32
      scf.if %cond3A_455 {
        %add3A_493 = arith.constant 8 : i32
        %add3A_494 = arith.addi %mul3A_109, %add3A_493 : i32
        %add3A_495 = arith.constant 5 : i32
        %add3A_496 = arith.addi %add3A_494, %add3A_495 : i32
        %dma_start3A_497 = arith.constant 5 : i32
        %dma_start3A_498 = arith.constant 0 : i32
        %dma_start3A_499 = arith.constant 0 : i32
        %dma_start3A_500 = tpu.memref_slice %arg7[%dma_start3A_497, %dma_start3A_498, %dma_start3A_499] : memref<8x64x128xf32, #tpu.memory_space<vmem>> -> memref<1x64x128xf32, #tpu.memory_space<vmem>>
        %dma_start3A_501 = tpu.memref_squeeze %dma_start3A_500 : memref<1x64x128xf32, #tpu.memory_space<vmem>> -> memref<64x128xf32, #tpu.memory_space<vmem>>
        %dma_start3A_502 = arith.constant 0 : i32
        %dma_start3A_503 = tpu.memref_slice %arg5[%add3A_496, %dma_start3A_502] : memref<400x64xi32, #tpu.memory_space<vmem>> -> memref<1x64xi32, #tpu.memory_space<vmem>>
        %dma_start3A_504 = tpu.memref_squeeze %dma_start3A_503 : memref<1x64xi32, #tpu.memory_space<vmem>> -> memref<64xi32, #tpu.memory_space<vmem>>
        %dma_start3A_505 = arith.constant 0 : i32
        %dma_start3A_506 = arith.constant 0 : i32
        %dma_start3A_507 = tpu.memref_slice %arg6[%dma_start3A_505, %dma_start3A_506] : memref<200x128xf32, #tpu.memory_space<vmem_shared>> -> memref<200x128xf32, #tpu.memory_space<vmem_shared>>
        tpu.enqueue_indirect_dma source(%dma_start3A_507 : memref<200x128xf32, #tpu.memory_space<vmem_shared>>) target(%dma_start3A_501 : memref<64x128xf32, #tpu.memory_space<vmem>>) offsets(%dma_start3A_504 : memref<64xi32, #tpu.memory_space<vmem>>) semaphore(%arg13 : memref<!tpu.dma_semaphore, #tpu.memory_space<semaphore_mem>>)
      } else {
      }
      %dma_wait3A_456 = arith.constant 6 : i32
      %dma_wait3A_457 = arith.constant 0 : i32
      %dma_wait3A_458 = arith.constant 0 : i32
      %dma_wait3A_459 = tpu.memref_slice %arg7[%dma_wait3A_456, %dma_wait3A_457, %dma_wait3A_458] : memref<8x64x128xf32, #tpu.memory_space<vmem>> -> memref<1x64x128xf32, #tpu.memory_space<vmem>>
      %dma_wait3A_460 = tpu.memref_squeeze %dma_wait3A_459 : memref<1x64x128xf32, #tpu.memory_space<vmem>> -> memref<64x128xf32, #tpu.memory_space<vmem>>
      %dma_wait3A_461 = arith.constant 0 : i32
      %dma_wait3A_462 = tpu.memref_slice %arg4[%mul3A_2, %dma_wait3A_461] : memref<819200x128xf32, #tpu.memory_space<hbm>> -> memref<64x128xf32, #tpu.memory_space<hbm>>
      %dma_wait3A_463 = arith.constant 0 : i32
      %dma_wait3A_464 = tpu.memref_slice %arg4[%mul3A_2, %dma_wait3A_463] : memref<819200x128xf32, #tpu.memory_space<hbm>> -> memref<64x128xf32, #tpu.memory_space<hbm>>
      %dma_wait3A_465 = arith.constant 0 : i32
      %dma_wait3A_466 = arith.constant 0 : i32
      %dma_wait3A_467 = tpu.memref_slice %arg7[%dma_wait3A_456, %dma_wait3A_465, %dma_wait3A_466] : memref<8x64x128xf32, #tpu.memory_space<vmem>> -> memref<1x64x128xf32, #tpu.memory_space<vmem>>
      %dma_wait3A_468 = tpu.memref_squeeze %dma_wait3A_467 : memref<1x64x128xf32, #tpu.memory_space<vmem>> -> memref<64x128xf32, #tpu.memory_space<vmem>>
      tpu.wait_dma2 semaphore(%arg22 : memref<!tpu.dma_semaphore, #tpu.memory_space<semaphore_mem>>) src(%dma_wait3A_468 : memref<64x128xf32, #tpu.memory_space<vmem>>) dst(%dma_wait3A_464 : memref<64x128xf32, #tpu.memory_space<hbm>>)
      %lt3A_469 = arith.constant 49 : i32
      %lt3A_470 = arith.cmpi slt, %scan3A_106, %lt3A_469 : i32
      %convert_element_type3A_471 = arith.extui %lt3A_470 : i1 to i32
      %cond3A_472 = arith.constant 0 : i32
      %cond3A_473 = arith.cmpi ne, %convert_element_type3A_471, %cond3A_472 : i32
      scf.if %cond3A_473 {
        %add3A_493 = arith.constant 8 : i32
        %add3A_494 = arith.addi %mul3A_109, %add3A_493 : i32
        %add3A_495 = arith.constant 6 : i32
        %add3A_496 = arith.addi %add3A_494, %add3A_495 : i32
        %dma_start3A_497 = arith.constant 6 : i32
        %dma_start3A_498 = arith.constant 0 : i32
        %dma_start3A_499 = arith.constant 0 : i32
        %dma_start3A_500 = tpu.memref_slice %arg7[%dma_start3A_497, %dma_start3A_498, %dma_start3A_499] : memref<8x64x128xf32, #tpu.memory_space<vmem>> -> memref<1x64x128xf32, #tpu.memory_space<vmem>>
        %dma_start3A_501 = tpu.memref_squeeze %dma_start3A_500 : memref<1x64x128xf32, #tpu.memory_space<vmem>> -> memref<64x128xf32, #tpu.memory_space<vmem>>
        %dma_start3A_502 = arith.constant 0 : i32
        %dma_start3A_503 = tpu.memref_slice %arg5[%add3A_496, %dma_start3A_502] : memref<400x64xi32, #tpu.memory_space<vmem>> -> memref<1x64xi32, #tpu.memory_space<vmem>>
        %dma_start3A_504 = tpu.memref_squeeze %dma_start3A_503 : memref<1x64xi32, #tpu.memory_space<vmem>> -> memref<64xi32, #tpu.memory_space<vmem>>
        %dma_start3A_505 = arith.constant 0 : i32
        %dma_start3A_506 = arith.constant 0 : i32
        %dma_start3A_507 = tpu.memref_slice %arg6[%dma_start3A_505, %dma_start3A_506] : memref<200x128xf32, #tpu.memory_space<vmem_shared>> -> memref<200x128xf32, #tpu.memory_space<vmem_shared>>
        tpu.enqueue_indirect_dma source(%dma_start3A_507 : memref<200x128xf32, #tpu.memory_space<vmem_shared>>) target(%dma_start3A_501 : memref<64x128xf32, #tpu.memory_space<vmem>>) offsets(%dma_start3A_504 : memref<64xi32, #tpu.memory_space<vmem>>) semaphore(%arg14 : memref<!tpu.dma_semaphore, #tpu.memory_space<semaphore_mem>>)
      } else {
      }
      %dma_wait3A_474 = arith.constant 7 : i32
      %dma_wait3A_475 = arith.constant 0 : i32
      %dma_wait3A_476 = arith.constant 0 : i32
      %dma_wait3A_477 = tpu.memref_slice %arg7[%dma_wait3A_474, %dma_wait3A_475, %dma_wait3A_476] : memref<8x64x128xf32, #tpu.memory_space<vmem>> -> memref<1x64x128xf32, #tpu.memory_space<vmem>>
      %dma_wait3A_478 = tpu.memref_squeeze %dma_wait3A_477 : memref<1x64x128xf32, #tpu.memory_space<vmem>> -> memref<64x128xf32, #tpu.memory_space<vmem>>
      %dma_wait3A_479 = arith.constant 0 : i32
      %dma_wait3A_480 = tpu.memref_slice %arg4[%mul3A_2, %dma_wait3A_479] : memref<819200x128xf32, #tpu.memory_space<hbm>> -> memref<64x128xf32, #tpu.memory_space<hbm>>
      %dma_wait3A_481 = arith.constant 0 : i32
      %dma_wait3A_482 = tpu.memref_slice %arg4[%mul3A_2, %dma_wait3A_481] : memref<819200x128xf32, #tpu.memory_space<hbm>> -> memref<64x128xf32, #tpu.memory_space<hbm>>
      %dma_wait3A_483 = arith.constant 0 : i32
      %dma_wait3A_484 = arith.constant 0 : i32
      %dma_wait3A_485 = tpu.memref_slice %arg7[%dma_wait3A_474, %dma_wait3A_483, %dma_wait3A_484] : memref<8x64x128xf32, #tpu.memory_space<vmem>> -> memref<1x64x128xf32, #tpu.memory_space<vmem>>
      %dma_wait3A_486 = tpu.memref_squeeze %dma_wait3A_485 : memref<1x64x128xf32, #tpu.memory_space<vmem>> -> memref<64x128xf32, #tpu.memory_space<vmem>>
      tpu.wait_dma2 semaphore(%arg23 : memref<!tpu.dma_semaphore, #tpu.memory_space<semaphore_mem>>) src(%dma_wait3A_486 : memref<64x128xf32, #tpu.memory_space<vmem>>) dst(%dma_wait3A_482 : memref<64x128xf32, #tpu.memory_space<hbm>>)
      %lt3A_487 = arith.constant 49 : i32
      %lt3A_488 = arith.cmpi slt, %scan3A_106, %lt3A_487 : i32
      %convert_element_type3A_489 = arith.extui %lt3A_488 : i1 to i32
      %cond3A_490 = arith.constant 0 : i32
      %cond3A_491 = arith.cmpi ne, %convert_element_type3A_489, %cond3A_490 : i32
      scf.if %cond3A_491 {
        %add3A_493 = arith.constant 8 : i32
        %add3A_494 = arith.addi %mul3A_109, %add3A_493 : i32
        %add3A_495 = arith.constant 7 : i32
        %add3A_496 = arith.addi %add3A_494, %add3A_495 : i32
        %dma_start3A_497 = arith.constant 7 : i32
        %dma_start3A_498 = arith.constant 0 : i32
        %dma_start3A_499 = arith.constant 0 : i32
        %dma_start3A_500 = tpu.memref_slice %arg7[%dma_start3A_497, %dma_start3A_498, %dma_start3A_499] : memref<8x64x128xf32, #tpu.memory_space<vmem>> -> memref<1x64x128xf32, #tpu.memory_space<vmem>>
        %dma_start3A_501 = tpu.memref_squeeze %dma_start3A_500 : memref<1x64x128xf32, #tpu.memory_space<vmem>> -> memref<64x128xf32, #tpu.memory_space<vmem>>
        %dma_start3A_502 = arith.constant 0 : i32
        %dma_start3A_503 = tpu.memref_slice %arg5[%add3A_496, %dma_start3A_502] : memref<400x64xi32, #tpu.memory_space<vmem>> -> memref<1x64xi32, #tpu.memory_space<vmem>>
        %dma_start3A_504 = tpu.memref_squeeze %dma_start3A_503 : memref<1x64xi32, #tpu.memory_space<vmem>> -> memref<64xi32, #tpu.memory_space<vmem>>
        %dma_start3A_505 = arith.constant 0 : i32
        %dma_start3A_506 = arith.constant 0 : i32
        %dma_start3A_507 = tpu.memref_slice %arg6[%dma_start3A_505, %dma_start3A_506] : memref<200x128xf32, #tpu.memory_space<vmem_shared>> -> memref<200x128xf32, #tpu.memory_space<vmem_shared>>
        tpu.enqueue_indirect_dma source(%dma_start3A_507 : memref<200x128xf32, #tpu.memory_space<vmem_shared>>) target(%dma_start3A_501 : memref<64x128xf32, #tpu.memory_space<vmem>>) offsets(%dma_start3A_504 : memref<64xi32, #tpu.memory_space<vmem>>) semaphore(%arg15 : memref<!tpu.dma_semaphore, #tpu.memory_space<semaphore_mem>>)
      } else {
      }
      %scan3A_492 = arith.constant 0 : i32
      scf.yield %scan3A_492 : i32
    }
    %scan3A_105 = arith.constant 50 : i32
    return
  }
}

</mosaic_0001>

<sc_bundles>
// kernel: kernel.3.cloned.1.call-start
scs
__scs_entry_jumppad:
0x0: {  	(pc) =	sbr.rel $0x88, $3  }
0x1: {  	(tag) =	ssettag $0x0;
	lr =	simm.s32 $0x1  }
0x2: {  	[smem:$0x3F9F] =	sst lr;
	_ =	strace $0xD0000000  }
0x3: {  	_ = 	snop  }
0x4: {  	_ = 	snop  }
0x5: {  	_ = 	snop  }
0x6: {  	_ = 	snop  }
0x7: {  	_ = 	snop  }
__scs_overlays_trampoline_lowered:
0x8: {  	[smem:$0x3FAE] =	sst s0  }
0x9: {  	[smem:$0x3FAF] =	sst s1  }
0xa: {  	[smem:$0x3FB0] =	sst s2  }
0xb: {  	[smem:$0x3FB1] =	sst s3  }
0xc: {  	[smem:$0x3FB2] =	sst s4  }
0xd: {  	[smem:$0x3FB3] =	sst s5  }
0xe: {  	[smem:$0x3FB4] =	sst s6  }
0xf: {  	[smem:$0x3FB5] =	sst s7  }
0x10: {  	[smem:$0x3FB6] =	sst s8  }
0x11: {  	[smem:$0x3FB7] =	sst s9;
	s0 =	simm.s32 @!p0 $0x0  }
0x12: {  	s1 =	sld [smem:$0x3F9D];
	s0 =	simm.s32 @p0 $0x1  }
0x13: {  	[smem:$0x3FB8] =	sst s0;
	s0 =	simm.s32 @!p1 $0x0  }
0x14: {  	s2 =	sld [smem:$0x3F9C];
	s0 =	simm.s32 @p1 $0x1  }
0x15: {  	[smem:$0x3FB9] =	sst s0;
	s0 =	simm.s32 @!p2 $0x0  }
0x16: {  	s3 =	sld [smem:$0x3FDB];
	s0 =	simm.s32 @p2 $0x1  }
0x17: {  	s4 =	simm.s32 $0x1BF5;
	[smem:$0x3FBB] =	sst s0  }
0x18: {  	s0 =	sld [smem:$0x3F9E];
	_ =	swait.ge [sflag:s4], $0x0  }
0x19: {  	s7 =	sld [smem:$0x3F9F]  }
0x1a: {  	s8 =	sadd.s32 $0xFFFFE003, lr  }
0x1b: {  	s9 =	sadd.s32 $0xFFFFFEF7, lr;
	s5 =	simm.s32 $0xFFFFFFFF;
	p2 =	slt.u32 s8, $0xFFFFF086  }
0x1c: {  	p1 =	slt.u32 s9, $0xF7A;
	s5 =	simm.s32 @!p2 $0x0  }
0x1d: {  	s5 =	simm.s32 @p1 $0x1;
	p0 =	seq.s32 s7, s2  }
0x1e: {  	s7 =	smul.u32 @!p0 $0xF7A, s2;
	p2 =	seq.s32 @!p0 s5, $0x0  }
0x1f: {  	s9 =	smul.u32 $0xF7A, s1;
	s8 =	simm.s32 @!p0 $0x1BF5;
	p2 =	por !p2, p0  }
0x20: {  	[sflag:s8] =	ssyncset.s32 @!p0 $0xFFFFF086;
	s6 =	sadd.s32 @!p0 s3, s7;
	s7 =	simm.s32 @!p0 $0x108  }
0x21: {  	s3 =	sadd.s32 s3, s9;
	s6 =	sadd.s32 @!p0 $0x88, s6;
	s7 =	simm.s32 @p2 $0x1082  }
0x22: {  	[simem:s7], [sflag:s8] =	dma.local @!p0 [hbm:s6], $0xF7A  }
0x23: {  	s9 =	sor.u32 $0xD0000000, s2;
	s6 =	simm.s32 $0x108;
	_ =	swait.ge @!p0 [sflag:s8], $0x0  }
0x24: {  	s3 =	sadd.s32 $0x88, s3;
	s6 =	simm.s32 @!p1 $0x1082;
	[sflag:s4] =	ssyncset.s32 $0xFFFFF086  }
0x25: {  	[simem:s6], [sflag:s4] =	dma.local [hbm:s3], $0xF7A  }
0x26: {  	[smem:$0x3F9F] =	sst s1;
	(tag) =	ssettag s2;
	_ =	strace s9  }
0x27: {  	s1 =	sld [smem:$0x3FAF]  }
0x28: {  	s2 =	sld [smem:$0x3FB0]  }
0x29: {  	s4 =	sld [smem:$0x3FB2]  }
0x2a: {  	p0 =	seq.s32 s5, $0x0;
	s5 =	sld [smem:$0x3FB3]  }
0x2b: {  	s6 =	sld [smem:$0x3FB4]  }
0x2c: {  	s7 =	sld [smem:$0x3FB5]  }
0x2d: {  	s3 =	simm.s32 $0x108;
	s8 =	sld [smem:$0x3FB6]  }
0x2e: {  	s3 =	simm.s32 @!p0 $0x1082;
	s9 =	sld [smem:$0x3FB7]  }
0x2f: {  	lr =	sadd.s32 s0, s3;
	s0 =	sld [smem:$0x3FAE]  }
0x30: {  	s3 =	sld [smem:$0x3FB1]  }
0x31: {  	[smem:$0x3FBA] =	sst s10  }
0x32: {  	s10 =	sld [smem:$0x3FB8];
	_ =	sdelay $0x3  }
0x33: {  	p0 =	seq.s32 s10, $0x1;
	s10 =	sld [smem:$0x3FBA];
	_ =	sdelay $0x3  }
0x34: {  	[smem:$0x3FBA] =	sst s10  }
0x35: {  	s10 =	sld [smem:$0x3FB9];
	_ =	sdelay $0x3  }
0x36: {  	p1 =	seq.s32 s10, $0x1;
	s10 =	sld [smem:$0x3FBA];
	_ =	sdelay $0x3  }
0x37: {  	[smem:$0x3FBA] =	sst s10  }
0x38: {  	s10 =	sld [smem:$0x3FBB]  }
0x39: {  	_ = 	snop;
	(pc) =	sbr.ind lr, $3  }
0x3a: {  	_ = 	snop  }
0x3b: {  	_ = 	snop  }
0x3c: {  	p2 =	seq.s32 s10, $0x1;
	s10 =	sld [smem:$0x3FBA]  }
0x3d: {  	_ =	shalt  }
0x3e: {  	_ =	shalt  }
0x3f: {  	_ =	shalt  }
0x40: {  	_ =	shalt  }
0x41: {  	_ =	shalt  }
0x42: {  	_ =	shalt  }
0x43: {  	_ =	shalt  }
0x44: {  	_ =	shalt  }
0x45: {  	_ =	shalt  }
0x46: {  	_ =	shalt  }
0x47: {  	_ =	shalt  }
0x48: {  	_ =	shalt  }
0x49: {  	_ =	shalt  }
0x4a: {  	_ =	shalt  }
0x4b: {  	_ =	shalt  }
0x4c: {  	_ =	shalt  }
0x4d: {  	_ =	shalt  }
0x4e: {  	_ =	shalt  }
0x4f: {  	_ =	shalt  }
0x50: {  	_ =	shalt  }
0x51: {  	_ =	shalt  }
0x52: {  	_ =	shalt  }
0x53: {  	_ =	shalt  }
0x54: {  	_ =	shalt  }
0x55: {  	_ =	shalt  }
0x56: {  	_ =	shalt  }
0x57: {  	_ =	shalt  }
0x58: {  	_ =	shalt  }
0x59: {  	_ =	shalt  }
0x5a: {  	_ =	shalt  }
0x5b: {  	_ =	shalt  }
0x5c: {  	_ =	shalt  }
0x5d: {  	_ =	shalt  }
0x5e: {  	_ =	shalt  }
0x5f: {  	_ =	shalt  }
0x60: {  	_ =	shalt  }
0x61: {  	_ =	shalt  }
0x62: {  	_ =	shalt  }
0x63: {  	_ =	shalt  }
0x64: {  	_ =	shalt  }
0x65: {  	_ =	shalt  }
0x66: {  	_ =	shalt  }
0x67: {  	_ =	shalt  }
0x68: {  	_ =	shalt  }
0x69: {  	_ =	shalt  }
0x6a: {  	_ =	shalt  }
0x6b: {  	_ =	shalt  }
0x6c: {  	_ =	shalt  }
0x6d: {  	_ =	shalt  }
0x6e: {  	_ =	shalt  }
0x6f: {  	_ =	shalt  }
0x70: {  	_ =	shalt  }
0x71: {  	_ =	shalt  }
0x72: {  	_ =	shalt  }
0x73: {  	_ =	shalt  }
0x74: {  	_ =	shalt  }
0x75: {  	_ =	shalt  }
0x76: {  	_ =	shalt  }
0x77: {  	_ =	shalt  }
0x78: {  	_ =	shalt  }
0x79: {  	_ =	shalt  }
0x7a: {  	_ =	shalt  }
0x7b: {  	_ =	shalt  }
0x7c: {  	_ =	shalt  }
0x7d: {  	_ =	shalt  }
0x7e: {  	_ =	shalt  }
0x7f: {  	_ =	shalt  }
0x80: {  	_ =	shalt  }
0x81: {  	_ =	shalt  }
0x82: {  	_ =	shalt  }
0x83: {  	_ =	shalt  }
0x84: {  	_ =	shalt  }
0x85: {  	_ =	shalt  }
0x86: {  	_ =	shalt  }
0x87: {  	_ =	shalt  }
.Lfunc_end0:
.L_simem_size_0:
called_computation_lowered:
.L_overlay_start_0:
0x88: {  	s2 =	sld [smem:$0x3FD9]  }
0x89: {  	s3 =	sld [smem:$0x3FFE];
	_ =	sdelay $0x1  }
0x8a: {  	s1 =	srdreg.scid  }
0x8b: {  	s0 =	sand.u32 $0x1, s1  }
0x8c: {  	s17 =	sshll.u32 s0, $0xA;
	s2 =	sadd.s32 s3, s2  }
0x8d: {  	s2 =	sadd.s32 s2, s17  }
0x8e: {  	[smem:$0x3FC6] =	sst s2  }
0x8f: {  	_ = 	snop  }
0x90: {  	s2 =	sld [smem:$0x3FC8]  }
0x91: {  	s18 =	sld [smem:$0x3FD0];
	(tm) =	ssettm $0x1  }
0x92: {  	s4 =	sld [smem:$0x3FFB];
	_ =	sdelay $0x3  }
0x93: {  	_ =	strace s4  }
0x94: {  	s4 =	sld [smem:$0x3FFC];
	_ =	sdelay $0x3  }
0x95: {  	_ =	strace s4  }
0x96: {  	s4 =	sld [smem:$0x3FFD];
	_ =	sdelay $0x3  }
0x97: {  	_ =	strace s4  }
0x98: {  	_ =	strace $0x8FFFFFFF  }
0x99: {  	s19 =	sld [smem:$0x3FDB];
	_ =	sdelay $0x1  }
0x9a: {  	s5 =	simm.s32 $_scs_section_size  }
0x9b: {  	s6 =	simm.s32 $_size__tile_overlayer_lowered;
	s7 =	simm.s32 $_tile_overlayer_lowered  }
0x9c: {  	s22 =	simm.s32 $0x1BFF;
	s21 =	sshll.u32 s7, $0x1;
	s4 =	sadd.s32 s5, s19  }
0x9d: {  	s8 =	simm.s32 $0x0;
	s20 =	sshll.u32 s6, $0x1;
	s6 =	sadd.s32 s21, s4  }
0x9e: {  	[timem:s8], [sflag:s22] =	dma.local [hbm:s6], s20  }
0x9f: {  	_ =	swait.ge [sflag:s22], s20  }
0xa0: {  	s5 =	ssub.s32 $0x0, s20;
	[sflag:s22] =	ssyncset.done $0x0  }
0xa1: {  	[sflag:s22] =	ssyncadd.s32 s5;
	_ =	sdelay $0x1  }
0xa2: {  	s23 =	simm.s32 $0x1B8B  }
0xa3: {  	_ =	swait.ge [sflag:s23], $0x1  }
0xa4: {  	[sflag:s23] =	ssyncset.done $0x0  }
0xa5: {  	s25 =	simm.s32 $0x1B8E;
	s24 =	sld [smem:$0x3FFE];
	[sflag:s23] =	ssyncadd.s32 $0xFFFFFFFF  }
0xa6: {  	s26 =	simm.s32 $execute0_lowered;
	[smem:$0x3FD2] =	sst s25  }
0xa7: {  	s6 =	sshll.u32 s26, $0x1;
	_ =	strace $0x80000046;
	[dreg:$0x1] =	wrdreg $0xFFFFFFFF  }
0xa8: {  	s28 =	simm.s32 $_size_execute0_lowered;
	s4 =	sadd.s32 s4, s6;
	[dreg:$0x0] =	wrdreg $0x0  }
0xa9: {  	s6 =	sshll.u32 s28, $0x1;
	[dreg:$0x2] =	wrdreg s4  }
0xaa: {  	[dreg:$0x3] =	wrdreg s6  }
0xab: {  	[dreg:$0x4] =	wrdreg $0xC0  }
0xac: {  	_ =	task [dreg:s8], $0x5FFFF  }
0xad: {  	[dreg:$0x1] =	wrdreg $0xFFFFFFFF  }
0xae: {  	[dreg:$0x0] =	wrdreg $0x60  }
0xaf: {  	[dreg:$0x2] =	wrdreg s24  }
0xb0: {  	[dreg:$0x3] =	wrdreg s2  }
0xb1: {  	[dreg:$0x4] =	wrdreg s18  }
0xb2: {  	[dreg:$0x5] =	wrdreg $0xC8000  }
0xb3: {  	[dreg:$0x6] =	wrdreg $0x9  }
0xb4: {  	_ =	task.clear_ibuf [dreg:s8], $0x7FFFF;
	_ =	strace $0x90000046  }
0xb5: {  	s29 =	simm.s32 $0x9;
	_ =	strace $0x80000048  }
0xb6: {  	_ =	swait.ge [sflag:s29], $0x1  }
0xb7: {  	[sflag:s29] =	ssyncadd.s32 $0xFFFFFFFF  }
0xb8: {  	_ =	strace $0x90000048  }
0xb9: {  	_ =	sfence  }
0xba: {  	s30 =	sld [smem:$0x0];
	_ =	sdelay $0x2  }
0xbb: {  	s31 =	sshll.u32 s1, $0xD;
	s1 =	sshrl.u32 s1, $0x2  }
0xbc: {  	s3 =	sand.u32 $0x4000, s31;
	s1 =	sadd.s32 s1, s30  }
0xbd: {  	s0 =	sor.u32 s3, s0;
	s1 =	sshll.u32 s1, $0x11  }
0xbe: {  	s0 =	sor.u32 s1, s0  }
0xbf: {  	s0 =	sadd.s32 $0x8F2B, s0  }
0xc0: {  	[sflag:s0] =	ssyncadd.remote.s32 $0x1  }
0xc1: {  	_ =	sfence.sel $0xFFFF  }
0xc2: {  	[dreg:$0x0] =	wrdreg $0xFFFFFFFF;
	(pc) =	sbr.abs _section_cstart, $3  }
0xc3: {  	[dreg:$0x1] =	wrdreg $0xFFFFFFFF  }
0xc4: {  	_ =	task.clear_ibuf [dreg:s8], $0x2FFFF;
	_ =	strace $0x9FFFFFFF  }
0xc5: {  	(tm) =	ssettm $0x7FFFFFFF  }
tec
execute0_lowered:
.L_overlay_start_1:
0x0: {  	(tag) =	ssettag $0x1  }
0x1: {  	s0 =	rddreg [dreg:$0x0];
	s1 =	srdreg.scid  }
0x2: {  	s2 =	stileid.u32;
	s3 =	rddreg [dreg:$0x3]  }
0x3: {  	s11 =	simm.s32 $0x40;
	s12 =	simm.s32 $0xCE40;
	s14 =	simm.s32 $0xEE40  }
0x4: {  	s16 =	simm.s32 $0x10E40;
	s18 =	simm.s32 $0x12E40;
	s20 =	simm.s32 $0x14E40  }
0x5: {  	s22 =	simm.s32 $0x16E40;
	s28 =	simm.s32 $0x1;
	s29 =	simm.s32 $0x2  }
0x6: {  	s30 =	simm.s32 $0x3;
	s31 =	simm.s32 $0x4;
	s13 =	simm.s32 $0x8  }
0x7: {  	s15 =	simm.s32 $0x9;
	s17 =	simm.s32 $0xA;
	s19 =	simm.s32 $0xB  }
0x8: {  	s21 =	simm.s32 $0xC;
	s1 =	sand.u32 $0x1, s1;
	s7 =	smul.u32 $0x640000, s2  }
0x9: {  	s4 =	sshll.u32 s2, $0x1;
	s24 =	smul.u32 $0xC8000, s2;
	p0 =	sne.s32 s2, $0x0  }
0xa: {  	s2 =	simm.s32 $0x7;
	s5 =	sor.u32 s1, s4;
	s9 =	smul.u32 $0x320000, s1  }
0xb: {  	s4 =	simm.s32 $0x0;
	s6 =	ssub.s32 $0x2, s1;
	s1 =	smul.u32 $0x64000, s1  }
0xc: {  	s5 =	smul.u32 $0x1900, s5;
	[smem:$0x7FF] =	sst s4;
	s8 =	sshrl.u32 s6, $0x1  }
0xd: {  	_ =	strace $0x80000047;
	s23 =	ssub.s32 s6, s8;
	s25 =	sadd.s32 s9, s7  }
0xe: {  	s26 =	sadd.s32 s1, s24;
	s24 =	simm.s32 $0x18E40;
	s1 =	simm.s32 $0x5  }
0xf: {  	s6 =	simm.s32 $0x10;
	s8 =	simm.s32 $0x0;
	s0 =	sadd.s32 s5, s0  }
.Ltmp0:
0x10: {  	s5 =	smax.u32 s23, $0x1;
	[dreg:$0x8] =	wrdreg s26;
	(pc) =	sbr.rel .LBB2_1-.Ltmp0, $4  }
0x11: {  	s26 =	simm.s32 $0x1AE40;
	s0 =	sadd.s32 $0x400, s0;
	[dreg:$0x6] =	wrdreg s5  }
0x12: {  	s23 =	simm.s32 $0xD;
	[dreg:$0x5] =	wrdreg s0;
	s0 =	sshrl.u32 s25, $0x3  }
0x13: {  	s5 =	simm.s32 $0xF;
	[dreg:$0x7] =	wrdreg s0;
	s0 =	sshrl.u32 @!p0 s3, $0x3  }
0x14: {  	s25 =	simm.s32 $0xE;
	[dreg:$0x9] =	wrdreg s0;
	s0 =	simm.s32 $0x6  }
.LBB2_4:
0x15: {  	_ =	swait.ge [sflag:s17], $0x2000  }
0x16: {  	[sflag:s17] =	ssyncset.done $0x0  }
0x17: {  	[sflag:s17] =	ssyncadd.s32 $0xFFFFE000  }
0x18: {  	_ =	swait.ge [sflag:s19], $0x2000  }
0x19: {  	[sflag:s19] =	ssyncset.done $0x0  }
0x1a: {  	[sflag:s19] =	ssyncadd.s32 $0xFFFFE000  }
0x1b: {  	_ =	swait.ge [sflag:s21], $0x2000  }
0x1c: {  	[sflag:s21] =	ssyncset.done $0x0  }
0x1d: {  	[sflag:s21] =	ssyncadd.s32 $0xFFFFE000  }
0x1e: {  	_ =	swait.ge [sflag:s23], $0x2000  }
0x1f: {  	[sflag:s23] =	ssyncset.done $0x0  }
0x20: {  	[sflag:s23] =	ssyncadd.s32 $0xFFFFE000  }
0x21: {  	_ =	swait.ge [sflag:s25], $0x2000  }
0x22: {  	[sflag:s25] =	ssyncset.done $0x0  }
0x23: {  	[sflag:s25] =	ssyncadd.s32 $0xFFFFE000  }
0x24: {  	_ =	swait.ge [sflag:s5], $0x2000  }
0x25: {  	[sflag:s5] =	ssyncset.done $0x0  }
0x26: {  	[sflag:s5] =	ssyncadd.s32 $0xFFFFE000  }
0x27: {  	_ =	swait.ge [sflag:s6], $0x2000  }
0x28: {  	s8 =	rddreg [dreg:$0xa]  }
0x29: {  	s7 =	rddreg [dreg:$0x6];
	s8 =	sadd.s32 $0x1, s8  }
0x2a: {  	p1 =	sne.s32 s8, s7  }
.Ltmp1:
0x2b: {  	_ = 	snop;
	(pc) =	sbr.rel @!p1 .LBB2_5-.Ltmp1, $3  }
0x2c: {  	_ =	sdelay $0x1  }
0x2d: {  	[sflag:s6] =	ssyncset.done $0x0  }
0x2e: {  	[sflag:s6] =	ssyncadd.s32 $0xFFFFE000  }
.LBB2_1:
0x2f: {  	[dreg:$0xa] =	wrdreg s8  }
0x30: {  	s7 =	rddreg [dreg:$0x1]  }
0x31: {  	s9 =	simm.s32 @!p0 $0x1C11;
	s8 =	rddreg [dreg:$0x9]  }
0x32: {  	[spmem:s8], [sflag:s9] =	dma.local @!p0 [hbm:s7], $0xC80  }
0x33: {  	s9 =	simm.s32 @!p0 $0x11  }
0x34: {  	_ =	swait.ge @!p0 [sflag:s9], $0xC80  }
0x35: {  	[sflag:s9] =	ssyncset.done @!p0 $0x0  }
0x36: {  	s8 =	rddreg [dreg:$0x5];
	[sflag:s9] =	ssyncadd.s32 @!p0 $0xFFFFF380;
	s9 =	simm.s32 $0x11  }
0x37: {  	[tilespmem:s4], [sflag:$0x11] =	stream.linear.gather [hbm4b:s8+s4], $0xC800, $0x38;
	[tilespmem:$0x1CE40] =	vst v63  }
0x38: {  	_ =	swait.ge [sflag:s9], $0xC800  }
0x39: {  	[sflag:s9] =	ssyncset.done $0x0  }
0x3a: {  	[sflag:s9] =	ssyncadd.s32 $0xFFFF3800  }
0x3b: {  	[bflag:$0x0] =	sbarrier.arrive $0xFFFF  }
0x3c: {  	[tilespmem:s12], [sflag:$0x1] =	stream.indirect.gather [spmem:s3], $0x80, s4, s11, $0xb8;
	[tilespmem:$0x1CE40] =	vst v63  }
0x3d: {  	s10 =	simm.s32 $0x80  }
0x3e: {  	[tilespmem:s14], [sflag:$0x2] =	stream.indirect.gather [spmem:s3], $0x80, s10, s11, $0xb8;
	[tilespmem:$0x1CE40] =	vst v63  }
0x3f: {  	s8 =	simm.s32 $0x100  }
0x40: {  	[tilespmem:s16], [sflag:$0x3] =	stream.indirect.gather [spmem:s3], $0x80, s8, s11, $0xb8;
	[tilespmem:$0x1CE40] =	vst v63  }
0x41: {  	s9 =	simm.s32 $0x180  }
0x42: {  	[tilespmem:s18], [sflag:$0x4] =	stream.indirect.gather [spmem:s3], $0x80, s9, s11, $0xb8;
	[tilespmem:$0x1CE40] =	vst v63  }
0x43: {  	s10 =	simm.s32 $0x200  }
0x44: {  	[tilespmem:s20], [sflag:$0x5] =	stream.indirect.gather [spmem:s3], $0x80, s10, s11, $0xb8;
	[tilespmem:$0x1CE40] =	vst v63  }
0x45: {  	s8 =	simm.s32 $0x280  }
0x46: {  	[tilespmem:s22], [sflag:$0x6] =	stream.indirect.gather [spmem:s3], $0x80, s8, s11, $0xb8;
	[tilespmem:$0x1CE40] =	vst v63  }
0x47: {  	s9 =	simm.s32 $0x300  }
0x48: {  	[tilespmem:s24], [sflag:$0x7] =	stream.indirect.gather [spmem:s3], $0x80, s9, s11, $0xb8;
	[tilespmem:$0x1CE40] =	vst v63  }
0x49: {  	s10 =	simm.s32 $0x380  }
0x4a: {  	[tilespmem:s26], [sflag:$0x8] =	stream.indirect.gather [spmem:s3], $0x80, s10, s11, $0xb8;
	[tilespmem:$0x1CE40] =	vst v63  }
0x4b: {  	s9 =	simm.s32 $0x0;
	s10 =	rddreg [dreg:$0x2]  }
.LBB2_2:
0x4c: {  	_ =	swait.ge [sflag:s28], $0x2000  }
0x4d: {  	[sflag:s28] =	ssyncset.done $0x0;
	s7 =	rddreg [dreg:$0x7]  }
0x4e: {  	[sflag:s28] =	ssyncadd.s32 $0xFFFFE000;
	s7 =	sadd.s32 s10, s7  }
0x4f: {  	[hbm4b:s7+s4] =	stream.linear.scatter [tilespmem:s12], [sflag:$0x9], $0x2000, $0x38;
	[tilespmem:$0x1CE40] =	vst v63  }
0x50: {  	_ =	swait.ge [sflag:s29], $0x2000  }
0x51: {  	s8 =	rddreg [dreg:$0x8]  }
0x52: {  	[sflag:s29] =	ssyncset.done $0x0;
	s7 =	sadd.s32 s10, s8  }
0x53: {  	[sflag:s29] =	ssyncadd.s32 $0xFFFFE000;
	s8 =	sadd.s32 $0x400, s7  }
0x54: {  	[hbm4b:s8+s4] =	stream.linear.scatter [tilespmem:s14], [sflag:$0xA], $0x2000, $0x38;
	[tilespmem:$0x1CE40] =	vst v63  }
0x55: {  	_ =	swait.ge [sflag:s30], $0x2000  }
0x56: {  	[sflag:s30] =	ssyncset.done $0x0  }
0x57: {  	s8 =	sadd.s32 $0x800, s7;
	[sflag:s30] =	ssyncadd.s32 $0xFFFFE000  }
0x58: {  	[hbm4b:s8+s4] =	stream.linear.scatter [tilespmem:s16], [sflag:$0xB], $0x2000, $0x38;
	[tilespmem:$0x1CE40] =	vst v63  }
0x59: {  	_ =	swait.ge [sflag:s31], $0x2000  }
0x5a: {  	[sflag:s31] =	ssyncset.done $0x0  }
0x5b: {  	s8 =	sadd.s32 $0xC00, s7;
	[sflag:s31] =	ssyncadd.s32 $0xFFFFE000  }
0x5c: {  	[hbm4b:s8+s4] =	stream.linear.scatter [tilespmem:s18], [sflag:$0xC], $0x2000, $0x38;
	[tilespmem:$0x1CE40] =	vst v63  }
0x5d: {  	_ =	swait.ge [sflag:s1], $0x2000  }
0x5e: {  	[sflag:s1] =	ssyncset.done $0x0  }
0x5f: {  	s8 =	sadd.s32 $0x1000, s7;
	[sflag:s1] =	ssyncadd.s32 $0xFFFFE000  }
0x60: {  	[hbm4b:s8+s4] =	stream.linear.scatter [tilespmem:s20], [sflag:$0xD], $0x2000, $0x38;
	[tilespmem:$0x1CE40] =	vst v63  }
0x61: {  	_ =	swait.ge [sflag:s0], $0x2000  }
0x62: {  	[sflag:s0] =	ssyncset.done $0x0  }
0x63: {  	s8 =	sadd.s32 $0x1400, s7;
	[sflag:s0] =	ssyncadd.s32 $0xFFFFE000  }
0x64: {  	[hbm4b:s8+s4] =	stream.linear.scatter [tilespmem:s22], [sflag:$0xE], $0x2000, $0x38;
	[tilespmem:$0x1CE40] =	vst v63  }
0x65: {  	_ =	swait.ge [sflag:s2], $0x2000  }
0x66: {  	[sflag:s2] =	ssyncset.done $0x0  }
0x67: {  	s8 =	sadd.s32 $0x1800, s7;
	[sflag:s2] =	ssyncadd.s32 $0xFFFFE000  }
0x68: {  	[hbm4b:s8+s4] =	stream.linear.scatter [tilespmem:s24], [sflag:$0xF], $0x2000, $0x38;
	[tilespmem:$0x1CE40] =	vst v63  }
0x69: {  	_ =	swait.ge [sflag:s13], $0x2000  }
0x6a: {  	p1 =	seq.s32 s9, $0x31000;
	[sflag:s13] =	ssyncset.done $0x0  }
.Ltmp2:
0x6b: {  	s7 =	sadd.s32 $0x1C00, s7;
	[sflag:s13] =	ssyncadd.s32 $0xFFFFE000;
	(pc) =	sbr.rel @p1 .LBB2_4-.Ltmp2, $4  }
0x6c: {  	[hbm4b:s7+s4] =	stream.linear.scatter [tilespmem:s26], [sflag:$0x10], $0x2000, $0x38;
	[tilespmem:$0x1CE40] =	vst v63  }
0x6d: {  	_ =	swait.ge [sflag:s15], $0x2000  }
0x6e: {  	[sflag:s15] =	ssyncset.done $0x0  }
0x6f: {  	[sflag:s15] =	ssyncadd.s32 $0xFFFFE000  }
0x70: {  	s7 =	sshra.s32 s9, $0x2  }
0x71: {  	s8 =	sadd.s32 $0x400, s7  }
0x72: {  	[tilespmem:s12], [sflag:$0x1] =	stream.indirect.gather [spmem:s3], $0x80, s8, s11, $0xb8;
	[tilespmem:$0x1CE40] =	vst v63  }
0x73: {  	_ =	swait.ge [sflag:s17], $0x2000  }
0x74: {  	[sflag:s17] =	ssyncset.done $0x0  }
0x75: {  	s8 =	sadd.s32 $0x480, s7;
	[sflag:s17] =	ssyncadd.s32 $0xFFFFE000  }
0x76: {  	[tilespmem:s14], [sflag:$0x2] =	stream.indirect.gather [spmem:s3], $0x80, s8, s11, $0xb8;
	[tilespmem:$0x1CE40] =	vst v63  }
0x77: {  	_ =	swait.ge [sflag:s19], $0x2000  }
0x78: {  	[sflag:s19] =	ssyncset.done $0x0  }
0x79: {  	s8 =	sadd.s32 $0x500, s7;
	[sflag:s19] =	ssyncadd.s32 $0xFFFFE000  }
0x7a: {  	[tilespmem:s16], [sflag:$0x3] =	stream.indirect.gather [spmem:s3], $0x80, s8, s11, $0xb8;
	[tilespmem:$0x1CE40] =	vst v63  }
0x7b: {  	_ =	swait.ge [sflag:s21], $0x2000  }
0x7c: {  	[sflag:s21] =	ssyncset.done $0x0  }
0x7d: {  	s8 =	sadd.s32 $0x580, s7;
	[sflag:s21] =	ssyncadd.s32 $0xFFFFE000  }
0x7e: {  	[tilespmem:s18], [sflag:$0x4] =	stream.indirect.gather [spmem:s3], $0x80, s8, s11, $0xb8;
	[tilespmem:$0x1CE40] =	vst v63  }
0x7f: {  	_ =	swait.ge [sflag:s23], $0x2000  }
0x80: {  	[sflag:s23] =	ssyncset.done $0x0  }
0x81: {  	s8 =	sadd.s32 $0x600, s7;
	[sflag:s23] =	ssyncadd.s32 $0xFFFFE000  }
0x82: {  	[tilespmem:s20], [sflag:$0x5] =	stream.indirect.gather [spmem:s3], $0x80, s8, s11, $0xb8;
	[tilespmem:$0x1CE40] =	vst v63  }
0x83: {  	_ =	swait.ge [sflag:s25], $0x2000  }
0x84: {  	[sflag:s25] =	ssyncset.done $0x0  }
0x85: {  	s8 =	sadd.s32 $0x680, s7;
	[sflag:s25] =	ssyncadd.s32 $0xFFFFE000  }
0x86: {  	[tilespmem:s22], [sflag:$0x6] =	stream.indirect.gather [spmem:s3], $0x80, s8, s11, $0xb8;
	[tilespmem:$0x1CE40] =	vst v63  }
0x87: {  	_ =	swait.ge [sflag:s5], $0x2000  }
0x88: {  	[sflag:s5] =	ssyncset.done $0x0  }
0x89: {  	s8 =	sadd.s32 $0x700, s7;
	[sflag:s5] =	ssyncadd.s32 $0xFFFFE000  }
0x8a: {  	[tilespmem:s24], [sflag:$0x7] =	stream.indirect.gather [spmem:s3], $0x80, s8, s11, $0xb8;
	[tilespmem:$0x1CE40] =	vst v63  }
.Ltmp3:
0x8b: {  	_ = 	snop;
	(pc) =	sbr.rel .LBB2_2-.Ltmp3, $4  }
0x8c: {  	_ =	swait.ge [sflag:s6], $0x2000  }
0x8d: {  	s9 =	sadd.s32 $0x1000, s9;
	[sflag:s6] =	ssyncset.done $0x0  }
0x8e: {  	s10 =	sadd.s32 $0x2000, s10;
	s7 =	sadd.s32 $0x780, s7;
	[sflag:s6] =	ssyncadd.s32 $0xFFFFE000  }
0x8f: {  	[tilespmem:s26], [sflag:$0x8] =	stream.indirect.gather [spmem:s3], $0x80, s7, s11, $0xb8;
	[tilespmem:$0x1CE40] =	vst v63  }
.LBB2_5:
0x90: {  	_ =	sfence.sel $0x180000  }
0x91: {  	[bflag:$0x0] =	sbarrier.arrive $0xFFFF  }
0x92: {  	_ =	strace $0x90000047  }
0x93: {  	[bflag:$0x2] =	sbarrier.arrive $0xFFFF  }
0x94: {  	s0 =	rddreg [dreg:$0x4]  }
0x95: {  	s0 =	sadd.s32 @!p0 $0x100000, s0  }
0x96: {  	[sflag:s0] =	ssyncadd.tile.s32 @!p0 $0x1;
	_ =	shalt  }
.Lfunc_end2:
_tile_overlayer_lowered:
.L_overlay_start_2:
0x97: {  	(tag) =	ssettag $0x2  }
0x98: {  	s0 =	rddreg [dreg:$0x0];
	s2 =	stileid.u32  }
0x99: {  	s1 =	rddreg [dreg:$0x1];
	p0 =	sne.s32 s2, $0x0  }
0x9a: {  	s3 =	rddreg [dreg:$0x2];
	[bflag:$0x3] =	sbarrier.arrive $0xFFFF;
	s2 =	simm.s32 @!p0 $0x1C11  }
0x9b: {  	[timem:s3], [sflag:s2] =	dma.local @!p0 [hbm:s0], s1  }
0x9c: {  	s0 =	simm.s32 @!p0 $0x11  }
0x9d: {  	_ =	swait.ge @!p0 [sflag:s0], s1  }
0x9e: {  	s1 =	ssub.s32 @!p0 $0x0, s1;
	[sflag:s0] =	ssyncset.done @!p0 $0x0  }
0x9f: {  	[sflag:s0] =	ssyncadd.s32 @!p0 s1  }
0xa0: {  	[bflag:$0x3] =	sbarrier.arrive $0xFFFF  }
0xa1: {  	_ =	shalt  }

</sc_bundles>
